<compile_context>
chip_gen: v7x
topology: tpu7x:2x2x1
jax: 0.10.2.dev20260603
libtpu: 0.0.44.dev20260713+nightly
codegen_flags: <defaults>
</compile_context>

<pallas_src>
import functools

import jax
import jax.numpy as jnp
from jax import lax
from jax.experimental import pallas as pl
from jax.experimental.pallas import tpu as pltpu
from jax.experimental.pallas import tpu_sc as plsc

_TOP_K = 8
_NUM_EXPERTS = 64
_HIDDEN = 768
_BT = 4096
_NUM_TOKENS = 16384

_NC, _NS, _L = 2, 16, 16
_NW = _NC * _NS
_TPW = _NUM_TOKENS // _NW
_CB = 512
_UNROLL = 4


_GDN = lax.GatherDimensionNumbers(
    offset_dims=(), collapsed_slice_dims=(0,), start_index_map=(0,))


def _shuffle(x, p):
    return lax.gather(x, p.reshape(_L, 1), _GDN, (1,),
                      mode=lax.GatherScatterMode.PROMISE_IN_BOUNDS)


def _matmul_body(x_ref, w_ref, logits_ref):
    dn = (((1,), (1,)), ((), ()))
    logits_ref[...] = jax.lax.dot_general(
        x_ref[...], w_ref[...], dn, preferred_element_type=jnp.float32)


def _make_sc_router(num_tokens):
  tpw = num_tokens // _NW

  @functools.partial(
      pl.kernel,
      mesh=plsc.VectorSubcoreMesh(core_axis_name="c", subcore_axis_name="s"),
      out_type=[
          jax.ShapeDtypeStruct((num_tokens * _TOP_K,), jnp.float32),
          jax.ShapeDtypeStruct((num_tokens * _TOP_K,), jnp.int32),
      ],
      scratch_types=[
          pltpu.VMEM((tpw * _NUM_EXPERTS,), jnp.float32),
          pltpu.VMEM((tpw * _TOP_K,), jnp.float32),
          pltpu.VMEM((tpw * _TOP_K,), jnp.int32),
      ],
      compiler_params=pltpu.CompilerParams(needs_layout_passes=False),
  )
  def _sc_router(logits_hbm, tw_hbm, ti_hbm, chunk_v, twv, tiv):
    wid = lax.axis_index("s") * _NC + lax.axis_index("c")
    base = wid * tpw
    lane = lax.iota(jnp.int32, _L)
    mask8 = lane < _TOP_K
    perms = [lane ^ d for d in (1, 2, 4)]
    vj = [lane + _L * j for j in range(4)]

    def tok_body(t):
        off = t * _NUM_EXPERTS
        s = []
        for j in range(4):
            k = chunk_v[pl.ds(off + _L * j, _L)]
            s.append(plsc.sort_key_val(k, vj[j], descending=(j % 2 == 0)))
        m1 = plsc.sort_key_val(jnp.where(mask8, s[0][0], s[1][0]),
                               jnp.where(mask8, s[0][1], s[1][1]),
                               descending=True)
        m2 = plsc.sort_key_val(jnp.where(mask8, s[2][0], s[3][0]),
                               jnp.where(mask8, s[2][1], s[3][1]),
                               descending=False)
        kf, vf = plsc.sort_key_val(jnp.where(mask8, m1[0], m2[0]),
                                   jnp.where(mask8, m1[1], m2[1]),
                                   descending=True)
        w = 1.0 / (1.0 + jnp.exp(-kf))
        wm = jnp.where(mask8, w, 0.0)
        acc = wm
        for p in perms:
            acc = acc + _shuffle(acc, p)
        wn = wm / (acc + 1e-20)
        idx = t * _TOP_K + lane
        plsc.store_scatter(twv, [idx], wn, mask=mask8)
        plsc.store_scatter(tiv, [idx], vf, mask=mask8)

    pltpu.sync_copy(
        logits_hbm.at[pl.ds(base * _NUM_EXPERTS, tpw * _NUM_EXPERTS)],
        chunk_v)
    plsc.parallel_loop(0, tpw, 1, unroll=_UNROLL)(tok_body)
    pltpu.sync_copy(twv, tw_hbm.at[pl.ds(base * _TOP_K, tpw * _TOP_K)])
    pltpu.sync_copy(tiv, ti_hbm.at[pl.ds(base * _TOP_K, tpw * _TOP_K)])

  return _sc_router


def _tc_matmul_half(x, w, half, num_tokens):
    nblk = num_tokens // (2 * _BT)
    return pl.pallas_call(
        _matmul_body,
        grid=(nblk,),
        in_specs=[
            pl.BlockSpec((_BT, _HIDDEN), lambda i, h=half, n=nblk: (h * n + i, 0)),
            pl.BlockSpec((_NUM_EXPERTS, _HIDDEN), lambda i: (0, 0)),
        ],
        out_specs=pl.BlockSpec((_BT, _NUM_EXPERTS), lambda i: (i, 0)),
        out_shape=jax.ShapeDtypeStruct((num_tokens // 2, _NUM_EXPERTS),
                                       jnp.float32),
    )(x, w)


@jax.jit
def kernel(hidden_states, weight, e_score_correction_bias):
    num_tokens = hidden_states.shape[0]
    del e_score_correction_bias
    x = hidden_states.astype(jnp.float32)
    w = weight.astype(jnp.float32)
    router = _make_sc_router(num_tokens // 2)
    la = _tc_matmul_half(x, w, 0, num_tokens)
    twa, tia = router(la.reshape(-1))
    lb = _tc_matmul_half(x, w, 1, num_tokens)
    twb, tib = router(lb.reshape(-1))
    logits = jnp.concatenate([la, lb], axis=0)
    tw = jnp.concatenate([twa, twb]).reshape(num_tokens, _TOP_K)
    ti = jnp.concatenate([tia, tib]).reshape(num_tokens, _TOP_K)
    return (logits, tw, ti)

# --- scband reference (transcript-rebuilt; emitter-appended) ---
"""Pipeline reference for scband-mi-mo-v2-flash-top-krouter-36679020708355 (READ-ONLY COPY).

The authoritative reference and input builder live on the scoring server;
editing this copy changes nothing except your own understanding.
"""

import jax, jax.numpy as jnp
import numpy as np

TOP_K = 8
NUM_EXPERTS = 64
HIDDEN = 768
N_GROUP = 1
TOPK_GROUP = 1
NORM_TOPK_PROB = True
ROUTED_SCALING_FACTOR = 1.0
NUM_TOKENS = 16384


def setup_inputs(seed: int = 0) -> dict:
    key = jax.random.key(seed)
    k1, k2 = jax.random.split(key, 2)
    hidden_states = jax.random.normal(k1, (NUM_TOKENS, HIDDEN), dtype=jnp.float32)
    weight = jax.random.normal(k2, (NUM_EXPERTS, HIDDEN), dtype=jnp.float32) * 0.02
    e_score_correction_bias = jnp.zeros((NUM_EXPERTS,), dtype=jnp.float32)
    return {
        "hidden_states": hidden_states,
        "weight": weight,
        "e_score_correction_bias": e_score_correction_bias,
    }


def reference(hidden_states, weight, e_score_correction_bias):
    num_tokens = hidden_states.shape[0]
    logits = hidden_states.astype(jnp.float32) @ weight.astype(jnp.float32).T
    scores = jax.nn.sigmoid(logits)
    scores_for_choice = scores + e_score_correction_bias[None, :]
    # group-based top-k selection
    grouped = scores_for_choice.reshape(num_tokens, N_GROUP, -1)
    top2_per_group = jax.lax.top_k(grouped, 2)[0]
    group_scores = top2_per_group.sum(axis=-1)  # [T, n_group]
    group_idx = jax.lax.top_k(group_scores, TOPK_GROUP)[1]  # [T, topk_group]
    group_mask = jnp.sum(jax.nn.one_hot(group_idx, N_GROUP, dtype=scores.dtype), axis=1)  # [T, n_group]
    score_mask = jnp.broadcast_to(
        group_mask[:, :, None], (num_tokens, N_GROUP, NUM_EXPERTS // N_GROUP)
    ).reshape(num_tokens, -1)
    tmp_scores = jnp.where(score_mask > 0, scores_for_choice, -jnp.inf)
    _, topk_idx = jax.lax.top_k(tmp_scores, TOP_K)
    topk_weight = jnp.take_along_axis(scores, topk_idx, axis=1)
    if TOP_K > 1 and NORM_TOPK_PROB:
        denominator = topk_weight.sum(axis=-1, keepdims=True) + 1e-20
        topk_weight = topk_weight / denominator
    topk_weight = topk_weight * ROUTED_SCALING_FACTOR
    return (logits, topk_weight, topk_idx)

if __name__ == "__main__":
    import jax
    _d = setup_inputs()
    print(jax.jit(kernel)(*tuple(_d.values())))

</pallas_src>

<mosaic_0001>
#map = affine_map<(d0, d1) -> (0)>
module attributes {stable_mosaic.version = 14 : i64} {
  func.func @_sc_router(%arg0: i32, %arg1: i32, %arg2: memref<524288xf32, #tpu.memory_space<hbm>>, %arg3: memref<65536xf32, #tpu.memory_space<hbm>>, %arg4: memref<65536xi32, #tpu.memory_space<hbm>>, %arg5: memref<16384xf32, #tpu.memory_space<vmem>>, %arg6: memref<2048xf32, #tpu.memory_space<vmem>>, %arg7: memref<2048xi32, #tpu.memory_space<vmem>>) attributes {dimension_semantics = [#tpu.dimension_semantics<core_parallel>, #tpu.dimension_semantics<subcore_parallel>], iteration_bounds = array<i64: 2, 16>, scalar_prefetch = 0 : i64, scratch_operands = 3 : i64, tpu.core_type = #tpu.core_type<sc_vector_subcore>, window_params = [{transform_indices = #map}, {transform_indices = #map}, {transform_indices = #map}]} {
    %mul3A = arith.constant 2 : i32
    %mul3A_0 = arith.muli %arg1, %mul3A : i32
    %add3A = arith.addi %mul3A_0, %arg0 : i32
    %mul3A_1 = arith.constant 256 : i32
    %mul3A_2 = arith.muli %add3A, %mul3A_1 : i32
    %iota3A = tpu.iota {dimensions = array<i32: 0>} : vector<16xi32>
    %lt3A = arith.constant 8 : i32
    %lt3A_3 = vector.broadcast %lt3A : i32 to vector<16xi32>
    %lt3A_4 = arith.cmpi slt, %iota3A, %lt3A_3 : vector<16xi32>
    %xor3A = arith.constant 1 : i32
    %xor3A_5 = vector.broadcast %xor3A : i32 to vector<16xi32>
    %xor3A_6 = arith.xori %iota3A, %xor3A_5 : vector<16xi32>
    %xor3A_7 = arith.constant 2 : i32
    %xor3A_8 = vector.broadcast %xor3A_7 : i32 to vector<16xi32>
    %xor3A_9 = arith.xori %iota3A, %xor3A_8 : vector<16xi32>
    %xor3A_10 = arith.constant 4 : i32
    %xor3A_11 = vector.broadcast %xor3A_10 : i32 to vector<16xi32>
    %xor3A_12 = arith.xori %iota3A, %xor3A_11 : vector<16xi32>
    %add3A_13 = arith.constant 0 : i32
    %add3A_14 = vector.broadcast %add3A_13 : i32 to vector<16xi32>
    %add3A_15 = arith.addi %iota3A, %add3A_14 : vector<16xi32>
    %add3A_16 = arith.constant 16 : i32
    %add3A_17 = vector.broadcast %add3A_16 : i32 to vector<16xi32>
    %add3A_18 = arith.addi %iota3A, %add3A_17 : vector<16xi32>
    %add3A_19 = arith.constant 32 : i32
    %add3A_20 = vector.broadcast %add3A_19 : i32 to vector<16xi32>
    %add3A_21 = arith.addi %iota3A, %add3A_20 : vector<16xi32>
    %add3A_22 = arith.constant 48 : i32
    %add3A_23 = vector.broadcast %add3A_22 : i32 to vector<16xi32>
    %add3A_24 = arith.addi %iota3A, %add3A_23 : vector<16xi32>
    %mul3A_25 = arith.constant 64 : i32
    %mul3A_26 = arith.muli %mul3A_2, %mul3A_25 : i32
    "tpu.region"() ({
      %run_scoped3A = tpu.sem_alloc : memref<!tpu.dma_semaphore, #tpu.memory_space<semaphore_mem>>
      %dma_start3A = tpu.memref_slice %arg2[%mul3A_26] : memref<524288xf32, #tpu.memory_space<hbm>> -> memref<16384xf32, #tpu.memory_space<hbm>>
      %dma_start3A_33 = tpu.memref_slice %arg2[%mul3A_26] : memref<524288xf32, #tpu.memory_space<hbm>> -> memref<16384xf32, #tpu.memory_space<hbm>>
      tpu.enqueue_dma source(%dma_start3A_33 : memref<16384xf32, #tpu.memory_space<hbm>>) target(%arg5 : memref<16384xf32, #tpu.memory_space<vmem>>) target_semaphore(%run_scoped3A : memref<!tpu.dma_semaphore, #tpu.memory_space<semaphore_mem>>)
      %dma_wait3A = tpu.memref_slice %arg2[%mul3A_26] : memref<524288xf32, #tpu.memory_space<hbm>> -> memref<16384xf32, #tpu.memory_space<hbm>>
      %dma_wait3A_34 = tpu.memref_slice %arg2[%mul3A_26] : memref<524288xf32, #tpu.memory_space<hbm>> -> memref<16384xf32, #tpu.memory_space<hbm>>
      tpu.wait_dma2 semaphore(%run_scoped3A : memref<!tpu.dma_semaphore, #tpu.memory_space<semaphore_mem>>) src(%dma_wait3A_34 : memref<16384xf32, #tpu.memory_space<hbm>>) dst(%arg5 : memref<16384xf32, #tpu.memory_space<vmem>>)
      tpu.yield
    }) : () -> ()
    %parallel_loop3A = arith.constant 0 : i32
    %parallel_loop3A_27 = arith.constant 256 : i32
    %parallel_loop3A_28 = arith.constant 1 : i32
    scf.for %parallel_loop3A_33 = %parallel_loop3A to %parallel_loop3A_27 step %parallel_loop3A_28  : i32 {
      %parallel_loop3A_34 = arith.constant 64 : i32
      %parallel_loop3A_35 = arith.muli %parallel_loop3A_33, %parallel_loop3A_34 : i32
      %parallel_loop3A_36 = arith.constant 0 : i32
      %parallel_loop3A_37 = arith.addi %parallel_loop3A_35, %parallel_loop3A_36 : i32
      %parallel_loop3A_38 = arith.index_cast %parallel_loop3A_37 : i32 to index
      %parallel_loop3A_39 = tpu.vector_load %arg5[%parallel_loop3A_38] {strides = array<i32>} : memref<16384xf32, #tpu.memory_space<vmem>>, vector<16xf32>,
      %parallel_loop3A_40 = arith.constant dense<true> : vector<16xi1>
      %parallel_loop3A_41, %parallel_loop3A_42, %parallel_loop3A_43 = tpu.sort %parallel_loop3A_39, %add3A_15 masked %parallel_loop3A_40 {descending = true} : (vector<16xf32>, vector<16xi32>, vector<16xi1>) -> (vector<16xi1>, vector<16xf32>, vector<16xi32>)
      %parallel_loop3A_44 = arith.constant 16 : i32
      %parallel_loop3A_45 = arith.addi %parallel_loop3A_35, %parallel_loop3A_44 : i32
      %parallel_loop3A_46 = arith.index_cast %parallel_loop3A_45 : i32 to index
      %parallel_loop3A_47 = tpu.vector_load %arg5[%parallel_loop3A_46] {strides = array<i32>} : memref<16384xf32, #tpu.memory_space<vmem>>, vector<16xf32>,
      %parallel_loop3A_48 = arith.constant dense<true> : vector<16xi1>
      %parallel_loop3A_49, %parallel_loop3A_50, %parallel_loop3A_51 = tpu.sort %parallel_loop3A_47, %add3A_18 masked %parallel_loop3A_48 : (vector<16xf32>, vector<16xi32>, vector<16xi1>) -> (vector<16xi1>, vector<16xf32>, vector<16xi32>)
      %parallel_loop3A_52 = arith.constant 32 : i32
      %parallel_loop3A_53 = arith.addi %parallel_loop3A_35, %parallel_loop3A_52 : i32
      %parallel_loop3A_54 = arith.index_cast %parallel_loop3A_53 : i32 to index
      %parallel_loop3A_55 = tpu.vector_load %arg5[%parallel_loop3A_54] {strides = array<i32>} : memref<16384xf32, #tpu.memory_space<vmem>>, vector<16xf32>,
      %parallel_loop3A_56 = arith.constant dense<true> : vector<16xi1>
      %parallel_loop3A_57, %parallel_loop3A_58, %parallel_loop3A_59 = tpu.sort %parallel_loop3A_55, %add3A_21 masked %parallel_loop3A_56 {descending = true} : (vector<16xf32>, vector<16xi32>, vector<16xi1>) -> (vector<16xi1>, vector<16xf32>, vector<16xi32>)
      %parallel_loop3A_60 = arith.constant 48 : i32
      %parallel_loop3A_61 = arith.addi %parallel_loop3A_35, %parallel_loop3A_60 : i32
      %parallel_loop3A_62 = arith.index_cast %parallel_loop3A_61 : i32 to index
      %parallel_loop3A_63 = tpu.vector_load %arg5[%parallel_loop3A_62] {strides = array<i32>} : memref<16384xf32, #tpu.memory_space<vmem>>, vector<16xf32>,
      %parallel_loop3A_64 = arith.constant dense<true> : vector<16xi1>
      %parallel_loop3A_65, %parallel_loop3A_66, %parallel_loop3A_67 = tpu.sort %parallel_loop3A_63, %add3A_24 masked %parallel_loop3A_64 : (vector<16xf32>, vector<16xi32>, vector<16xi1>) -> (vector<16xi1>, vector<16xf32>, vector<16xi32>)
      %parallel_loop3A_68 = arith.select %lt3A_4, %parallel_loop3A_42, %parallel_loop3A_50 : vector<16xi1>, vector<16xf32>
      %parallel_loop3A_69 = arith.select %lt3A_4, %parallel_loop3A_43, %parallel_loop3A_51 : vector<16xi1>, vector<16xi32>
      %parallel_loop3A_70 = arith.constant dense<true> : vector<16xi1>
      %parallel_loop3A_71, %parallel_loop3A_72, %parallel_loop3A_73 = tpu.sort %parallel_loop3A_68, %parallel_loop3A_69 masked %parallel_loop3A_70 {descending = true} : (vector<16xf32>, vector<16xi32>, vector<16xi1>) -> (vector<16xi1>, vector<16xf32>, vector<16xi32>)
      %parallel_loop3A_74 = arith.select %lt3A_4, %parallel_loop3A_58, %parallel_loop3A_66 : vector<16xi1>, vector<16xf32>
      %parallel_loop3A_75 = arith.select %lt3A_4, %parallel_loop3A_59, %parallel_loop3A_67 : vector<16xi1>, vector<16xi32>
      %parallel_loop3A_76 = arith.constant dense<true> : vector<16xi1>
      %parallel_loop3A_77, %parallel_loop3A_78, %parallel_loop3A_79 = tpu.sort %parallel_loop3A_74, %parallel_loop3A_75 masked %parallel_loop3A_76 : (vector<16xf32>, vector<16xi32>, vector<16xi1>) -> (vector<16xi1>, vector<16xf32>, vector<16xi32>)
      %parallel_loop3A_80 = arith.select %lt3A_4, %parallel_loop3A_72, %parallel_loop3A_78 : vector<16xi1>, vector<16xf32>
      %parallel_loop3A_81 = arith.select %lt3A_4, %parallel_loop3A_73, %parallel_loop3A_79 : vector<16xi1>, vector<16xi32>
      %parallel_loop3A_82 = arith.constant dense<true> : vector<16xi1>
      %parallel_loop3A_83, %parallel_loop3A_84, %parallel_loop3A_85 = tpu.sort %parallel_loop3A_80, %parallel_loop3A_81 masked %parallel_loop3A_82 {descending = true} : (vector<16xf32>, vector<16xi32>, vector<16xi1>) -> (vector<16xi1>, vector<16xf32>, vector<16xi32>)
      %parallel_loop3A_86 = arith.constant 0.000000e+00 : f32
      %parallel_loop3A_87 = vector.broadcast %parallel_loop3A_86 : f32 to vector<16xf32>
      %parallel_loop3A_88 = arith.subf %parallel_loop3A_87, %parallel_loop3A_84 : vector<16xf32>
      %parallel_loop3A_89 = math.exp %parallel_loop3A_88 : vector<16xf32>
      %parallel_loop3A_90 = arith.constant 1.000000e+00 : f32
      %parallel_loop3A_91 = vector.broadcast %parallel_loop3A_90 : f32 to vector<16xf32>
      %parallel_loop3A_92 = arith.addf %parallel_loop3A_91, %parallel_loop3A_89 : vector<16xf32>
      %parallel_loop3A_93 = arith.constant 1.000000e+00 : f32
      %parallel_loop3A_94 = vector.broadcast %parallel_loop3A_93 : f32 to vector<16xf32>
      %parallel_loop3A_95 = arith.divf %parallel_loop3A_94, %parallel_loop3A_92 : vector<16xf32>
      %parallel_loop3A_96 = arith.constant 0.000000e+00 : f32
      %parallel_loop3A_97 = vector.broadcast %parallel_loop3A_96 : f32 to vector<16xf32>
      %parallel_loop3A_98 = arith.select %lt3A_4, %parallel_loop3A_95, %parallel_loop3A_97 : vector<16xi1>, vector<16xf32>
      %parallel_loop3A_99 = vector.shape_cast %xor3A_6 : vector<16xi32> to vector<16x1xi32>
      %parallel_loop3A_100 = vector.shape_cast %parallel_loop3A_99 : vector<16x1xi32> to vector<16xi32>
      %parallel_loop3A_101 = tpu.dynamic_gather %parallel_loop3A_98[%parallel_loop3A_100] in [0] : vector<16xf32>, vector<16xi32> -> vector<16xf32>
      %parallel_loop3A_102 = arith.addf %parallel_loop3A_98, %parallel_loop3A_101 : vector<16xf32>
      %parallel_loop3A_103 = vector.shape_cast %xor3A_9 : vector<16xi32> to vector<16x1xi32>
      %parallel_loop3A_104 = vector.shape_cast %parallel_loop3A_103 : vector<16x1xi32> to vector<16xi32>
      %parallel_loop3A_105 = tpu.dynamic_gather %parallel_loop3A_102[%parallel_loop3A_104] in [0] : vector<16xf32>, vector<16xi32> -> vector<16xf32>
      %parallel_loop3A_106 = arith.addf %parallel_loop3A_102, %parallel_loop3A_105 : vector<16xf32>
      %parallel_loop3A_107 = vector.shape_cast %xor3A_12 : vector<16xi32> to vector<16x1xi32>
      %parallel_loop3A_108 = vector.shape_cast %parallel_loop3A_107 : vector<16x1xi32> to vector<16xi32>
      %parallel_loop3A_109 = tpu.dynamic_gather %parallel_loop3A_106[%parallel_loop3A_108] in [0] : vector<16xf32>, vector<16xi32> -> vector<16xf32>
      %parallel_loop3A_110 = arith.addf %parallel_loop3A_106, %parallel_loop3A_109 : vector<16xf32>
      %parallel_loop3A_111 = arith.constant 9.99999968E-21 : f32
      %parallel_loop3A_112 = vector.broadcast %parallel_loop3A_111 : f32 to vector<16xf32>
      %parallel_loop3A_113 = arith.addf %parallel_loop3A_110, %parallel_loop3A_112 : vector<16xf32>
      %parallel_loop3A_114 = arith.divf %parallel_loop3A_98, %parallel_loop3A_113 : vector<16xf32>
      %parallel_loop3A_115 = arith.constant 8 : i32
      %parallel_loop3A_116 = arith.muli %parallel_loop3A_33, %parallel_loop3A_115 : i32
      %parallel_loop3A_117 = vector.broadcast %parallel_loop3A_116 : i32 to vector<16xi32>
      %parallel_loop3A_118 = arith.addi %parallel_loop3A_117, %iota3A : vector<16xi32>
      tpu.vector_store_idx %arg6[%parallel_loop3A_118], %parallel_loop3A_114 masked %lt3A_4 : memref<2048xf32, #tpu.memory_space<vmem>>[vector<16xi32>], vector<16xf32>, vector<16xi1>
      tpu.vector_store_idx %arg7[%parallel_loop3A_118], %parallel_loop3A_85 masked %lt3A_4 : memref<2048xi32, #tpu.memory_space<vmem>>[vector<16xi32>], vector<16xi32>, vector<16xi1>
    } {sc.loop_unroll_factor = 4 : i64, sc.parallel_access}
    %mul3A_29 = arith.constant 8 : i32
    %mul3A_30 = arith.muli %mul3A_2, %mul3A_29 : i32
    "tpu.region"() ({
      %run_scoped3A = tpu.sem_alloc : memref<!tpu.dma_semaphore, #tpu.memory_space<semaphore_mem>>
      %dma_start3A = tpu.memref_slice %arg3[%mul3A_30] : memref<65536xf32, #tpu.memory_space<hbm>> -> memref<2048xf32, #tpu.memory_space<hbm>>
      %dma_start3A_33 = tpu.memref_slice %arg3[%mul3A_30] : memref<65536xf32, #tpu.memory_space<hbm>> -> memref<2048xf32, #tpu.memory_space<hbm>>
      tpu.enqueue_dma source(%arg6 : memref<2048xf32, #tpu.memory_space<vmem>>) target(%dma_start3A_33 : memref<2048xf32, #tpu.memory_space<hbm>>) target_semaphore(%run_scoped3A : memref<!tpu.dma_semaphore, #tpu.memory_space<semaphore_mem>>)
      %dma_wait3A = tpu.memref_slice %arg3[%mul3A_30] : memref<65536xf32, #tpu.memory_space<hbm>> -> memref<2048xf32, #tpu.memory_space<hbm>>
      %dma_wait3A_34 = tpu.memref_slice %arg3[%mul3A_30] : memref<65536xf32, #tpu.memory_space<hbm>> -> memref<2048xf32, #tpu.memory_space<hbm>>
      tpu.wait_dma2 semaphore(%run_scoped3A : memref<!tpu.dma_semaphore, #tpu.memory_space<semaphore_mem>>) src(%arg6 : memref<2048xf32, #tpu.memory_space<vmem>>) dst(%dma_wait3A_34 : memref<2048xf32, #tpu.memory_space<hbm>>)
      tpu.yield
    }) : () -> ()
    %mul3A_31 = arith.constant 8 : i32
    %mul3A_32 = arith.muli %mul3A_2, %mul3A_31 : i32
    "tpu.region"() ({
      %run_scoped3A = tpu.sem_alloc : memref<!tpu.dma_semaphore, #tpu.memory_space<semaphore_mem>>
      %dma_start3A = tpu.memref_slice %arg4[%mul3A_32] : memref<65536xi32, #tpu.memory_space<hbm>> -> memref<2048xi32, #tpu.memory_space<hbm>>
      %dma_start3A_33 = tpu.memref_slice %arg4[%mul3A_32] : memref<65536xi32, #tpu.memory_space<hbm>> -> memref<2048xi32, #tpu.memory_space<hbm>>
      tpu.enqueue_dma source(%arg7 : memref<2048xi32, #tpu.memory_space<vmem>>) target(%dma_start3A_33 : memref<2048xi32, #tpu.memory_space<hbm>>) target_semaphore(%run_scoped3A : memref<!tpu.dma_semaphore, #tpu.memory_space<semaphore_mem>>)
      %dma_wait3A = tpu.memref_slice %arg4[%mul3A_32] : memref<65536xi32, #tpu.memory_space<hbm>> -> memref<2048xi32, #tpu.memory_space<hbm>>
      %dma_wait3A_34 = tpu.memref_slice %arg4[%mul3A_32] : memref<65536xi32, #tpu.memory_space<hbm>> -> memref<2048xi32, #tpu.memory_space<hbm>>
      tpu.wait_dma2 semaphore(%run_scoped3A : memref<!tpu.dma_semaphore, #tpu.memory_space<semaphore_mem>>) src(%arg7 : memref<2048xi32, #tpu.memory_space<vmem>>) dst(%dma_wait3A_34 : memref<2048xi32, #tpu.memory_space<hbm>>)
      tpu.yield
    }) : () -> ()
    return
  }
}

#map = affine_map<(d0, d1) -> (0)>
module attributes {stable_mosaic.version = 14 : i64} {
  func.func @_sc_router(%arg0: i32, %arg1: i32, %arg2: memref<524288xf32, #tpu.memory_space<hbm>>, %arg3: memref<65536xf32, #tpu.memory_space<hbm>>, %arg4: memref<65536xi32, #tpu.memory_space<hbm>>, %arg5: memref<16384xf32, #tpu.memory_space<vmem>>, %arg6: memref<2048xf32, #tpu.memory_space<vmem>>, %arg7: memref<2048xi32, #tpu.memory_space<vmem>>) attributes {dimension_semantics = [#tpu.dimension_semantics<core_parallel>, #tpu.dimension_semantics<subcore_parallel>], iteration_bounds = array<i64: 2, 16>, scalar_prefetch = 0 : i64, scratch_operands = 3 : i64, tpu.core_type = #tpu.core_type<sc_vector_subcore>, window_params = [{transform_indices = #map}, {transform_indices = #map}, {transform_indices = #map}]} {
    %mul3A = arith.constant 2 : i32
    %mul3A_0 = arith.muli %arg1, %mul3A : i32
    %add3A = arith.addi %mul3A_0, %arg0 : i32
    %mul3A_1 = arith.constant 256 : i32
    %mul3A_2 = arith.muli %add3A, %mul3A_1 : i32
    %iota3A = tpu.iota {dimensions = array<i32: 0>} : vector<16xi32>
    %lt3A = arith.constant 8 : i32
    %lt3A_3 = vector.broadcast %lt3A : i32 to vector<16xi32>
    %lt3A_4 = arith.cmpi slt, %iota3A, %lt3A_3 : vector<16xi32>
    %xor3A = arith.constant 1 : i32
    %xor3A_5 = vector.broadcast %xor3A : i32 to vector<16xi32>
    %xor3A_6 = arith.xori %iota3A, %xor3A_5 : vector<16xi32>
    %xor3A_7 = arith.constant 2 : i32
    %xor3A_8 = vector.broadcast %xor3A_7 : i32 to vector<16xi32>
    %xor3A_9 = arith.xori %iota3A, %xor3A_8 : vector<16xi32>
    %xor3A_10 = arith.constant 4 : i32
    %xor3A_11 = vector.broadcast %xor3A_10 : i32 to vector<16xi32>
    %xor3A_12 = arith.xori %iota3A, %xor3A_11 : vector<16xi32>
    %add3A_13 = arith.constant 0 : i32
    %add3A_14 = vector.broadcast %add3A_13 : i32 to vector<16xi32>
    %add3A_15 = arith.addi %iota3A, %add3A_14 : vector<16xi32>
    %add3A_16 = arith.constant 16 : i32
    %add3A_17 = vector.broadcast %add3A_16 : i32 to vector<16xi32>
    %add3A_18 = arith.addi %iota3A, %add3A_17 : vector<16xi32>
    %add3A_19 = arith.constant 32 : i32
    %add3A_20 = vector.broadcast %add3A_19 : i32 to vector<16xi32>
    %add3A_21 = arith.addi %iota3A, %add3A_20 : vector<16xi32>
    %add3A_22 = arith.constant 48 : i32
    %add3A_23 = vector.broadcast %add3A_22 : i32 to vector<16xi32>
    %add3A_24 = arith.addi %iota3A, %add3A_23 : vector<16xi32>
    %mul3A_25 = arith.constant 64 : i32
    %mul3A_26 = arith.muli %mul3A_2, %mul3A_25 : i32
    "tpu.region"() ({
      %run_scoped3A = tpu.sem_alloc : memref<!tpu.dma_semaphore, #tpu.memory_space<semaphore_mem>>
      %dma_start3A = tpu.memref_slice %arg2[%mul3A_26] : memref<524288xf32, #tpu.memory_space<hbm>> -> memref<16384xf32, #tpu.memory_space<hbm>>
      %dma_start3A_33 = tpu.memref_slice %arg2[%mul3A_26] : memref<524288xf32, #tpu.memory_space<hbm>> -> memref<16384xf32, #tpu.memory_space<hbm>>
      tpu.enqueue_dma source(%dma_start3A_33 : memref<16384xf32, #tpu.memory_space<hbm>>) target(%arg5 : memref<16384xf32, #tpu.memory_space<vmem>>) target_semaphore(%run_scoped3A : memref<!tpu.dma_semaphore, #tpu.memory_space<semaphore_mem>>)
      %dma_wait3A = tpu.memref_slice %arg2[%mul3A_26] : memref<524288xf32, #tpu.memory_space<hbm>> -> memref<16384xf32, #tpu.memory_space<hbm>>
      %dma_wait3A_34 = tpu.memref_slice %arg2[%mul3A_26] : memref<524288xf32, #tpu.memory_space<hbm>> -> memref<16384xf32, #tpu.memory_space<hbm>>
      tpu.wait_dma2 semaphore(%run_scoped3A : memref<!tpu.dma_semaphore, #tpu.memory_space<semaphore_mem>>) src(%dma_wait3A_34 : memref<16384xf32, #tpu.memory_space<hbm>>) dst(%arg5 : memref<16384xf32, #tpu.memory_space<vmem>>)
      tpu.yield
    }) : () -> ()
    %parallel_loop3A = arith.constant 0 : i32
    %parallel_loop3A_27 = arith.constant 256 : i32
    %parallel_loop3A_28 = arith.constant 1 : i32
    scf.for %parallel_loop3A_33 = %parallel_loop3A to %parallel_loop3A_27 step %parallel_loop3A_28  : i32 {
      %parallel_loop3A_34 = arith.constant 64 : i32
      %parallel_loop3A_35 = arith.muli %parallel_loop3A_33, %parallel_loop3A_34 : i32
      %parallel_loop3A_36 = arith.constant 0 : i32
      %parallel_loop3A_37 = arith.addi %parallel_loop3A_35, %parallel_loop3A_36 : i32
      %parallel_loop3A_38 = arith.index_cast %parallel_loop3A_37 : i32 to index
      %parallel_loop3A_39 = tpu.vector_load %arg5[%parallel_loop3A_38] {strides = array<i32>} : memref<16384xf32, #tpu.memory_space<vmem>>, vector<16xf32>,
      %parallel_loop3A_40 = arith.constant dense<true> : vector<16xi1>
      %parallel_loop3A_41, %parallel_loop3A_42, %parallel_loop3A_43 = tpu.sort %parallel_loop3A_39, %add3A_15 masked %parallel_loop3A_40 {descending = true} : (vector<16xf32>, vector<16xi32>, vector<16xi1>) -> (vector<16xi1>, vector<16xf32>, vector<16xi32>)
      %parallel_loop3A_44 = arith.constant 16 : i32
      %parallel_loop3A_45 = arith.addi %parallel_loop3A_35, %parallel_loop3A_44 : i32
      %parallel_loop3A_46 = arith.index_cast %parallel_loop3A_45 : i32 to index
      %parallel_loop3A_47 = tpu.vector_load %arg5[%parallel_loop3A_46] {strides = array<i32>} : memref<16384xf32, #tpu.memory_space<vmem>>, vector<16xf32>,
      %parallel_loop3A_48 = arith.constant dense<true> : vector<16xi1>
      %parallel_loop3A_49, %parallel_loop3A_50, %parallel_loop3A_51 = tpu.sort %parallel_loop3A_47, %add3A_18 masked %parallel_loop3A_48 : (vector<16xf32>, vector<16xi32>, vector<16xi1>) -> (vector<16xi1>, vector<16xf32>, vector<16xi32>)
      %parallel_loop3A_52 = arith.constant 32 : i32
      %parallel_loop3A_53 = arith.addi %parallel_loop3A_35, %parallel_loop3A_52 : i32
      %parallel_loop3A_54 = arith.index_cast %parallel_loop3A_53 : i32 to index
      %parallel_loop3A_55 = tpu.vector_load %arg5[%parallel_loop3A_54] {strides = array<i32>} : memref<16384xf32, #tpu.memory_space<vmem>>, vector<16xf32>,
      %parallel_loop3A_56 = arith.constant dense<true> : vector<16xi1>
      %parallel_loop3A_57, %parallel_loop3A_58, %parallel_loop3A_59 = tpu.sort %parallel_loop3A_55, %add3A_21 masked %parallel_loop3A_56 {descending = true} : (vector<16xf32>, vector<16xi32>, vector<16xi1>) -> (vector<16xi1>, vector<16xf32>, vector<16xi32>)
      %parallel_loop3A_60 = arith.constant 48 : i32
      %parallel_loop3A_61 = arith.addi %parallel_loop3A_35, %parallel_loop3A_60 : i32
      %parallel_loop3A_62 = arith.index_cast %parallel_loop3A_61 : i32 to index
      %parallel_loop3A_63 = tpu.vector_load %arg5[%parallel_loop3A_62] {strides = array<i32>} : memref<16384xf32, #tpu.memory_space<vmem>>, vector<16xf32>,
      %parallel_loop3A_64 = arith.constant dense<true> : vector<16xi1>
      %parallel_loop3A_65, %parallel_loop3A_66, %parallel_loop3A_67 = tpu.sort %parallel_loop3A_63, %add3A_24 masked %parallel_loop3A_64 : (vector<16xf32>, vector<16xi32>, vector<16xi1>) -> (vector<16xi1>, vector<16xf32>, vector<16xi32>)
      %parallel_loop3A_68 = arith.select %lt3A_4, %parallel_loop3A_42, %parallel_loop3A_50 : vector<16xi1>, vector<16xf32>
      %parallel_loop3A_69 = arith.select %lt3A_4, %parallel_loop3A_43, %parallel_loop3A_51 : vector<16xi1>, vector<16xi32>
      %parallel_loop3A_70 = arith.constant dense<true> : vector<16xi1>
      %parallel_loop3A_71, %parallel_loop3A_72, %parallel_loop3A_73 = tpu.sort %parallel_loop3A_68, %parallel_loop3A_69 masked %parallel_loop3A_70 {descending = true} : (vector<16xf32>, vector<16xi32>, vector<16xi1>) -> (vector<16xi1>, vector<16xf32>, vector<16xi32>)
      %parallel_loop3A_74 = arith.select %lt3A_4, %parallel_loop3A_58, %parallel_loop3A_66 : vector<16xi1>, vector<16xf32>
      %parallel_loop3A_75 = arith.select %lt3A_4, %parallel_loop3A_59, %parallel_loop3A_67 : vector<16xi1>, vector<16xi32>
      %parallel_loop3A_76 = arith.constant dense<true> : vector<16xi1>
      %parallel_loop3A_77, %parallel_loop3A_78, %parallel_loop3A_79 = tpu.sort %parallel_loop3A_74, %parallel_loop3A_75 masked %parallel_loop3A_76 : (vector<16xf32>, vector<16xi32>, vector<16xi1>) -> (vector<16xi1>, vector<16xf32>, vector<16xi32>)
      %parallel_loop3A_80 = arith.select %lt3A_4, %parallel_loop3A_72, %parallel_loop3A_78 : vector<16xi1>, vector<16xf32>
      %parallel_loop3A_81 = arith.select %lt3A_4, %parallel_loop3A_73, %parallel_loop3A_79 : vector<16xi1>, vector<16xi32>
      %parallel_loop3A_82 = arith.constant dense<true> : vector<16xi1>
      %parallel_loop3A_83, %parallel_loop3A_84, %parallel_loop3A_85 = tpu.sort %parallel_loop3A_80, %parallel_loop3A_81 masked %parallel_loop3A_82 {descending = true} : (vector<16xf32>, vector<16xi32>, vector<16xi1>) -> (vector<16xi1>, vector<16xf32>, vector<16xi32>)
      %parallel_loop3A_86 = arith.constant 0.000000e+00 : f32
      %parallel_loop3A_87 = vector.broadcast %parallel_loop3A_86 : f32 to vector<16xf32>
      %parallel_loop3A_88 = arith.subf %parallel_loop3A_87, %parallel_loop3A_84 : vector<16xf32>
      %parallel_loop3A_89 = math.exp %parallel_loop3A_88 : vector<16xf32>
      %parallel_loop3A_90 = arith.constant 1.000000e+00 : f32
      %parallel_loop3A_91 = vector.broadcast %parallel_loop3A_90 : f32 to vector<16xf32>
      %parallel_loop3A_92 = arith.addf %parallel_loop3A_91, %parallel_loop3A_89 : vector<16xf32>
      %parallel_loop3A_93 = arith.constant 1.000000e+00 : f32
      %parallel_loop3A_94 = vector.broadcast %parallel_loop3A_93 : f32 to vector<16xf32>
      %parallel_loop3A_95 = arith.divf %parallel_loop3A_94, %parallel_loop3A_92 : vector<16xf32>
      %parallel_loop3A_96 = arith.constant 0.000000e+00 : f32
      %parallel_loop3A_97 = vector.broadcast %parallel_loop3A_96 : f32 to vector<16xf32>
      %parallel_loop3A_98 = arith.select %lt3A_4, %parallel_loop3A_95, %parallel_loop3A_97 : vector<16xi1>, vector<16xf32>
      %parallel_loop3A_99 = vector.shape_cast %xor3A_6 : vector<16xi32> to vector<16x1xi32>
      %parallel_loop3A_100 = vector.shape_cast %parallel_loop3A_99 : vector<16x1xi32> to vector<16xi32>
      %parallel_loop3A_101 = tpu.dynamic_gather %parallel_loop3A_98[%parallel_loop3A_100] in [0] : vector<16xf32>, vector<16xi32> -> vector<16xf32>
      %parallel_loop3A_102 = arith.addf %parallel_loop3A_98, %parallel_loop3A_101 : vector<16xf32>
      %parallel_loop3A_103 = vector.shape_cast %xor3A_9 : vector<16xi32> to vector<16x1xi32>
      %parallel_loop3A_104 = vector.shape_cast %parallel_loop3A_103 : vector<16x1xi32> to vector<16xi32>
      %parallel_loop3A_105 = tpu.dynamic_gather %parallel_loop3A_102[%parallel_loop3A_104] in [0] : vector<16xf32>, vector<16xi32> -> vector<16xf32>
      %parallel_loop3A_106 = arith.addf %parallel_loop3A_102, %parallel_loop3A_105 : vector<16xf32>
      %parallel_loop3A_107 = vector.shape_cast %xor3A_12 : vector<16xi32> to vector<16x1xi32>
      %parallel_loop3A_108 = vector.shape_cast %parallel_loop3A_107 : vector<16x1xi32> to vector<16xi32>
      %parallel_loop3A_109 = tpu.dynamic_gather %parallel_loop3A_106[%parallel_loop3A_108] in [0] : vector<16xf32>, vector<16xi32> -> vector<16xf32>
      %parallel_loop3A_110 = arith.addf %parallel_loop3A_106, %parallel_loop3A_109 : vector<16xf32>
      %parallel_loop3A_111 = arith.constant 9.99999968E-21 : f32
      %parallel_loop3A_112 = vector.broadcast %parallel_loop3A_111 : f32 to vector<16xf32>
      %parallel_loop3A_113 = arith.addf %parallel_loop3A_110, %parallel_loop3A_112 : vector<16xf32>
      %parallel_loop3A_114 = arith.divf %parallel_loop3A_98, %parallel_loop3A_113 : vector<16xf32>
      %parallel_loop3A_115 = arith.constant 8 : i32
      %parallel_loop3A_116 = arith.muli %parallel_loop3A_33, %parallel_loop3A_115 : i32
      %parallel_loop3A_117 = vector.broadcast %parallel_loop3A_116 : i32 to vector<16xi32>
      %parallel_loop3A_118 = arith.addi %parallel_loop3A_117, %iota3A : vector<16xi32>
      tpu.vector_store_idx %arg6[%parallel_loop3A_118], %parallel_loop3A_114 masked %lt3A_4 : memref<2048xf32, #tpu.memory_space<vmem>>[vector<16xi32>], vector<16xf32>, vector<16xi1>
      tpu.vector_store_idx %arg7[%parallel_loop3A_118], %parallel_loop3A_85 masked %lt3A_4 : memref<2048xi32, #tpu.memory_space<vmem>>[vector<16xi32>], vector<16xi32>, vector<16xi1>
    } {sc.loop_unroll_factor = 4 : i64, sc.parallel_access}
    %mul3A_29 = arith.constant 8 : i32
    %mul3A_30 = arith.muli %mul3A_2, %mul3A_29 : i32
    "tpu.region"() ({
      %run_scoped3A = tpu.sem_alloc : memref<!tpu.dma_semaphore, #tpu.memory_space<semaphore_mem>>
      %dma_start3A = tpu.memref_slice %arg3[%mul3A_30] : memref<65536xf32, #tpu.memory_space<hbm>> -> memref<2048xf32, #tpu.memory_space<hbm>>
      %dma_start3A_33 = tpu.memref_slice %arg3[%mul3A_30] : memref<65536xf32, #tpu.memory_space<hbm>> -> memref<2048xf32, #tpu.memory_space<hbm>>
      tpu.enqueue_dma source(%arg6 : memref<2048xf32, #tpu.memory_space<vmem>>) target(%dma_start3A_33 : memref<2048xf32, #tpu.memory_space<hbm>>) target_semaphore(%run_scoped3A : memref<!tpu.dma_semaphore, #tpu.memory_space<semaphore_mem>>)
      %dma_wait3A = tpu.memref_slice %arg3[%mul3A_30] : memref<65536xf32, #tpu.memory_space<hbm>> -> memref<2048xf32, #tpu.memory_space<hbm>>
      %dma_wait3A_34 = tpu.memref_slice %arg3[%mul3A_30] : memref<65536xf32, #tpu.memory_space<hbm>> -> memref<2048xf32, #tpu.memory_space<hbm>>
      tpu.wait_dma2 semaphore(%run_scoped3A : memref<!tpu.dma_semaphore, #tpu.memory_space<semaphore_mem>>) src(%arg6 : memref<2048xf32, #tpu.memory_space<vmem>>) dst(%dma_wait3A_34 : memref<2048xf32, #tpu.memory_space<hbm>>)
      tpu.yield
    }) : () -> ()
    %mul3A_31 = arith.constant 8 : i32
    %mul3A_32 = arith.muli %mul3A_2, %mul3A_31 : i32
    "tpu.region"() ({
      %run_scoped3A = tpu.sem_alloc : memref<!tpu.dma_semaphore, #tpu.memory_space<semaphore_mem>>
      %dma_start3A = tpu.memref_slice %arg4[%mul3A_32] : memref<65536xi32, #tpu.memory_space<hbm>> -> memref<2048xi32, #tpu.memory_space<hbm>>
      %dma_start3A_33 = tpu.memref_slice %arg4[%mul3A_32] : memref<65536xi32, #tpu.memory_space<hbm>> -> memref<2048xi32, #tpu.memory_space<hbm>>
      tpu.enqueue_dma source(%arg7 : memref<2048xi32, #tpu.memory_space<vmem>>) target(%dma_start3A_33 : memref<2048xi32, #tpu.memory_space<hbm>>) target_semaphore(%run_scoped3A : memref<!tpu.dma_semaphore, #tpu.memory_space<semaphore_mem>>)
      %dma_wait3A = tpu.memref_slice %arg4[%mul3A_32] : memref<65536xi32, #tpu.memory_space<hbm>> -> memref<2048xi32, #tpu.memory_space<hbm>>
      %dma_wait3A_34 = tpu.memref_slice %arg4[%mul3A_32] : memref<65536xi32, #tpu.memory_space<hbm>> -> memref<2048xi32, #tpu.memory_space<hbm>>
      tpu.wait_dma2 semaphore(%run_scoped3A : memref<!tpu.dma_semaphore, #tpu.memory_space<semaphore_mem>>) src(%arg7 : memref<2048xi32, #tpu.memory_space<vmem>>) dst(%dma_wait3A_34 : memref<2048xi32, #tpu.memory_space<hbm>>)
      tpu.yield
    }) : () -> ()
    return
  }
}

module attributes {stable_mosaic.version = 14 : i64} {
  func.func @_matmul_body(%arg0: i32, %arg1: memref<4096x768xf32, #tpu.memory_space<vmem>>, %arg2: memref<64x768xf32, #tpu.memory_space<vmem>>, %arg3: memref<4096x64xf32, #tpu.memory_space<vmem>>) attributes {dimension_semantics = [#tpu.dimension_semantics<arbitrary>], iteration_bounds = array<i64: 2>, scalar_prefetch = 0 : i64, scratch_operands = 0 : i64, tpu.core_type = #tpu.core_type<tc>, window_params = [{transform_indices = @transform_0, window_bounds = array<i64: 4096, 768>}, {pipeline_mode = #tpu.pipeline_mode<synchronous>, transform_indices = @transform_1, window_bounds = array<i64: 64, 768>}, {transform_indices = @transform_2, window_bounds = array<i64: 4096, 64>}]} {
    %get3A = arith.constant 0 : index
    %get3A_0 = arith.constant 0 : index
    %get3A_1 = vector.load %arg1[%get3A, %get3A_0] : memref<4096x768xf32, #tpu.memory_space<vmem>>, vector<4096x768xf32>
    %get3A_2 = arith.constant 0 : index
    %get3A_3 = arith.constant 0 : index
    %get3A_4 = vector.load %arg2[%get3A_2, %get3A_3] : memref<64x768xf32, #tpu.memory_space<vmem>>, vector<64x768xf32>
    %dot_general3A = arith.constant dense<0.000000e+00> : vector<4096x64xf32>
    %dot_general3A_5 = tpu.matmul %get3A_1, %get3A_4, %dot_general3A {dimension_numbers = #tpu.dot_dimension_numbers<[1], [1], [0], [0], [0, 0, 1, 0], [], []>, transpose_lhs_hint = false} : vector<4096x768xf32>, vector<64x768xf32>, vector<4096x64xf32> -> vector<4096x64xf32>
    %swap3A = arith.constant 0 : index
    %swap3A_6 = arith.constant 0 : index
    %swap3A_7 = vector.load %arg3[%swap3A, %swap3A_6] : memref<4096x64xf32, #tpu.memory_space<vmem>>, vector<4096x64xf32>
    tpu.vector_store %arg3[%swap3A, %swap3A_6], %dot_general3A_5 {strides = array<i32>} : memref<4096x64xf32, #tpu.memory_space<vmem>>, vector<4096x64xf32>,
    return
  }
  func.func @transform_0(%arg0: i32) -> (i32, i32) {
    %add3A = arith.constant 2 : i32
    %add3A_0 = arith.addi %add3A, %arg0 : i32
    %c0_i32 = arith.constant 0 : i32
    %c0_i32_1 = arith.constant 0 : i32
    return %add3A_0, %c0_i32 : i32, i32
  }
  func.func @transform_1(%arg0: i32) -> (i32, i32) {
    %c0_i32 = arith.constant 0 : i32
    %c0_i32_0 = arith.constant 0 : i32
    %c0_i32_1 = arith.constant 0 : i32
    return %c0_i32, %c0_i32_0 : i32, i32
  }
  func.func @transform_2(%arg0: i32) -> (i32, i32) {
    %c0_i32 = arith.constant 0 : i32
    %c0_i32_0 = arith.constant 0 : i32
    return %arg0, %c0_i32 : i32, i32
  }
}

module attributes {stable_mosaic.version = 14 : i64} {
  func.func @_matmul_body(%arg0: i32, %arg1: memref<4096x768xf32, #tpu.memory_space<vmem>>, %arg2: memref<64x768xf32, #tpu.memory_space<vmem>>, %arg3: memref<4096x64xf32, #tpu.memory_space<vmem>>) attributes {dimension_semantics = [#tpu.dimension_semantics<arbitrary>], iteration_bounds = array<i64: 2>, scalar_prefetch = 0 : i64, scratch_operands = 0 : i64, tpu.core_type = #tpu.core_type<tc>, window_params = [{transform_indices = @transform_0, window_bounds = array<i64: 4096, 768>}, {pipeline_mode = #tpu.pipeline_mode<synchronous>, transform_indices = @transform_1, window_bounds = array<i64: 64, 768>}, {transform_indices = @transform_2, window_bounds = array<i64: 4096, 64>}]} {
    %get3A = arith.constant 0 : index
    %get3A_0 = arith.constant 0 : index
    %get3A_1 = vector.load %arg1[%get3A, %get3A_0] : memref<4096x768xf32, #tpu.memory_space<vmem>>, vector<4096x768xf32>
    %get3A_2 = arith.constant 0 : index
    %get3A_3 = arith.constant 0 : index
    %get3A_4 = vector.load %arg2[%get3A_2, %get3A_3] : memref<64x768xf32, #tpu.memory_space<vmem>>, vector<64x768xf32>
    %dot_general3A = arith.constant dense<0.000000e+00> : vector<4096x64xf32>
    %dot_general3A_5 = tpu.matmul %get3A_1, %get3A_4, %dot_general3A {dimension_numbers = #tpu.dot_dimension_numbers<[1], [1], [0], [0], [0, 0, 1, 0], [], []>, transpose_lhs_hint = false} : vector<4096x768xf32>, vector<64x768xf32>, vector<4096x64xf32> -> vector<4096x64xf32>
    %swap3A = arith.constant 0 : index
    %swap3A_6 = arith.constant 0 : index
    %swap3A_7 = vector.load %arg3[%swap3A, %swap3A_6] : memref<4096x64xf32, #tpu.memory_space<vmem>>, vector<4096x64xf32>
    tpu.vector_store %arg3[%swap3A, %swap3A_6], %dot_general3A_5 {strides = array<i32>} : memref<4096x64xf32, #tpu.memory_space<vmem>>, vector<4096x64xf32>,
    return
  }
  func.func @transform_0(%arg0: i32) -> (i32, i32) {
    %add3A = arith.constant 0 : i32
    %add3A_0 = arith.addi %add3A, %arg0 : i32
    %c0_i32 = arith.constant 0 : i32
    %c0_i32_1 = arith.constant 0 : i32
    return %add3A_0, %c0_i32 : i32, i32
  }
  func.func @transform_1(%arg0: i32) -> (i32, i32) {
    %c0_i32 = arith.constant 0 : i32
    %c0_i32_0 = arith.constant 0 : i32
    %c0_i32_1 = arith.constant 0 : i32
    return %c0_i32, %c0_i32_0 : i32, i32
  }
  func.func @transform_2(%arg0: i32) -> (i32, i32) {
    %c0_i32 = arith.constant 0 : i32
    %c0_i32_0 = arith.constant 0 : i32
    return %arg0, %c0_i32 : i32, i32
  }
}

</mosaic_0001>

<sc_bundles>
// kernel: kernel.6.cloned.1.call-start
scs
__scs_entry_jumppad:
0x0: {  	(pc) =	sbr.rel $0x88, $3  }
0x1: {  	(tag) =	ssettag $0x0;
	lr =	simm.s32 $0x1  }
0x2: {  	[smem:$0x3F9F] =	sst lr;
	_ =	strace $0xD0000000  }
0x3: {  	_ = 	snop  }
0x4: {  	_ = 	snop  }
0x5: {  	_ = 	snop  }
0x6: {  	_ = 	snop  }
0x7: {  	_ = 	snop  }
__scs_overlays_trampoline_lowered:
0x8: {  	[smem:$0x3FAE] =	sst s0  }
0x9: {  	[smem:$0x3FAF] =	sst s1  }
0xa: {  	[smem:$0x3FB0] =	sst s2  }
0xb: {  	[smem:$0x3FB1] =	sst s3  }
0xc: {  	[smem:$0x3FB2] =	sst s4  }
0xd: {  	[smem:$0x3FB3] =	sst s5  }
0xe: {  	[smem:$0x3FB4] =	sst s6  }
0xf: {  	[smem:$0x3FB5] =	sst s7  }
0x10: {  	[smem:$0x3FB6] =	sst s8  }
0x11: {  	[smem:$0x3FB7] =	sst s9;
	s0 =	simm.s32 @!p0 $0x0  }
0x12: {  	s1 =	sld [smem:$0x3F9D];
	s0 =	simm.s32 @p0 $0x1  }
0x13: {  	[smem:$0x3FB8] =	sst s0;
	s0 =	simm.s32 @!p1 $0x0  }
0x14: {  	s2 =	sld [smem:$0x3F9C];
	s0 =	simm.s32 @p1 $0x1  }
0x15: {  	[smem:$0x3FB9] =	sst s0;
	s0 =	simm.s32 @!p2 $0x0  }
0x16: {  	s3 =	sld [smem:$0x3FDB];
	s0 =	simm.s32 @p2 $0x1  }
0x17: {  	s4 =	simm.s32 $0x1BF5;
	[smem:$0x3FBB] =	sst s0  }
0x18: {  	s0 =	sld [smem:$0x3F9E];
	_ =	swait.ge [sflag:s4], $0x0  }
0x19: {  	s7 =	sld [smem:$0x3F9F]  }
0x1a: {  	s8 =	sadd.s32 $0xFFFFE003, lr  }
0x1b: {  	s9 =	sadd.s32 $0xFFFFFEF7, lr;
	s5 =	simm.s32 $0xFFFFFFFF;
	p2 =	slt.u32 s8, $0xFFFFF086  }
0x1c: {  	p1 =	slt.u32 s9, $0xF7A;
	s5 =	simm.s32 @!p2 $0x0  }
0x1d: {  	s5 =	simm.s32 @p1 $0x1;
	p0 =	seq.s32 s7, s2  }
0x1e: {  	s7 =	smul.u32 @!p0 $0xF7A, s2;
	p2 =	seq.s32 @!p0 s5, $0x0  }
0x1f: {  	s9 =	smul.u32 $0xF7A, s1;
	s8 =	simm.s32 @!p0 $0x1BF5;
	p2 =	por !p2, p0  }
0x20: {  	[sflag:s8] =	ssyncset.s32 @!p0 $0xFFFFF086;
	s6 =	sadd.s32 @!p0 s3, s7;
	s7 =	simm.s32 @!p0 $0x108  }
0x21: {  	s3 =	sadd.s32 s3, s9;
	s6 =	sadd.s32 @!p0 $0x88, s6;
	s7 =	simm.s32 @p2 $0x1082  }
0x22: {  	[simem:s7], [sflag:s8] =	dma.local @!p0 [hbm:s6], $0xF7A  }
0x23: {  	s9 =	sor.u32 $0xD0000000, s2;
	s6 =	simm.s32 $0x108;
	_ =	swait.ge @!p0 [sflag:s8], $0x0  }
0x24: {  	s3 =	sadd.s32 $0x88, s3;
	s6 =	simm.s32 @!p1 $0x1082;
	[sflag:s4] =	ssyncset.s32 $0xFFFFF086  }
0x25: {  	[simem:s6], [sflag:s4] =	dma.local [hbm:s3], $0xF7A  }
0x26: {  	[smem:$0x3F9F] =	sst s1;
	(tag) =	ssettag s2;
	_ =	strace s9  }
0x27: {  	s1 =	sld [smem:$0x3FAF]  }
0x28: {  	s2 =	sld [smem:$0x3FB0]  }
0x29: {  	s4 =	sld [smem:$0x3FB2]  }
0x2a: {  	p0 =	seq.s32 s5, $0x0;
	s5 =	sld [smem:$0x3FB3]  }
0x2b: {  	s6 =	sld [smem:$0x3FB4]  }
0x2c: {  	s7 =	sld [smem:$0x3FB5]  }
0x2d: {  	s3 =	simm.s32 $0x108;
	s8 =	sld [smem:$0x3FB6]  }
0x2e: {  	s3 =	simm.s32 @!p0 $0x1082;
	s9 =	sld [smem:$0x3FB7]  }
0x2f: {  	lr =	sadd.s32 s0, s3;
	s0 =	sld [smem:$0x3FAE]  }
0x30: {  	s3 =	sld [smem:$0x3FB1]  }
0x31: {  	[smem:$0x3FBA] =	sst s10  }
0x32: {  	s10 =	sld [smem:$0x3FB8];
	_ =	sdelay $0x3  }
0x33: {  	p0 =	seq.s32 s10, $0x1;
	s10 =	sld [smem:$0x3FBA];
	_ =	sdelay $0x3  }
0x34: {  	[smem:$0x3FBA] =	sst s10  }
0x35: {  	s10 =	sld [smem:$0x3FB9];
	_ =	sdelay $0x3  }
0x36: {  	p1 =	seq.s32 s10, $0x1;
	s10 =	sld [smem:$0x3FBA];
	_ =	sdelay $0x3  }
0x37: {  	[smem:$0x3FBA] =	sst s10  }
0x38: {  	s10 =	sld [smem:$0x3FBB]  }
0x39: {  	_ = 	snop;
	(pc) =	sbr.ind lr, $3  }
0x3a: {  	_ = 	snop  }
0x3b: {  	_ = 	snop  }
0x3c: {  	p2 =	seq.s32 s10, $0x1;
	s10 =	sld [smem:$0x3FBA]  }
0x3d: {  	_ =	shalt  }
0x3e: {  	_ =	shalt  }
0x3f: {  	_ =	shalt  }
0x40: {  	_ =	shalt  }
0x41: {  	_ =	shalt  }
0x42: {  	_ =	shalt  }
0x43: {  	_ =	shalt  }
0x44: {  	_ =	shalt  }
0x45: {  	_ =	shalt  }
0x46: {  	_ =	shalt  }
0x47: {  	_ =	shalt  }
0x48: {  	_ =	shalt  }
0x49: {  	_ =	shalt  }
0x4a: {  	_ =	shalt  }
0x4b: {  	_ =	shalt  }
0x4c: {  	_ =	shalt  }
0x4d: {  	_ =	shalt  }
0x4e: {  	_ =	shalt  }
0x4f: {  	_ =	shalt  }
0x50: {  	_ =	shalt  }
0x51: {  	_ =	shalt  }
0x52: {  	_ =	shalt  }
0x53: {  	_ =	shalt  }
0x54: {  	_ =	shalt  }
0x55: {  	_ =	shalt  }
0x56: {  	_ =	shalt  }
0x57: {  	_ =	shalt  }
0x58: {  	_ =	shalt  }
0x59: {  	_ =	shalt  }
0x5a: {  	_ =	shalt  }
0x5b: {  	_ =	shalt  }
0x5c: {  	_ =	shalt  }
0x5d: {  	_ =	shalt  }
0x5e: {  	_ =	shalt  }
0x5f: {  	_ =	shalt  }
0x60: {  	_ =	shalt  }
0x61: {  	_ =	shalt  }
0x62: {  	_ =	shalt  }
0x63: {  	_ =	shalt  }
0x64: {  	_ =	shalt  }
0x65: {  	_ =	shalt  }
0x66: {  	_ =	shalt  }
0x67: {  	_ =	shalt  }
0x68: {  	_ =	shalt  }
0x69: {  	_ =	shalt  }
0x6a: {  	_ =	shalt  }
0x6b: {  	_ =	shalt  }
0x6c: {  	_ =	shalt  }
0x6d: {  	_ =	shalt  }
0x6e: {  	_ =	shalt  }
0x6f: {  	_ =	shalt  }
0x70: {  	_ =	shalt  }
0x71: {  	_ =	shalt  }
0x72: {  	_ =	shalt  }
0x73: {  	_ =	shalt  }
0x74: {  	_ =	shalt  }
0x75: {  	_ =	shalt  }
0x76: {  	_ =	shalt  }
0x77: {  	_ =	shalt  }
0x78: {  	_ =	shalt  }
0x79: {  	_ =	shalt  }
0x7a: {  	_ =	shalt  }
0x7b: {  	_ =	shalt  }
0x7c: {  	_ =	shalt  }
0x7d: {  	_ =	shalt  }
0x7e: {  	_ =	shalt  }
0x7f: {  	_ =	shalt  }
0x80: {  	_ =	shalt  }
0x81: {  	_ =	shalt  }
0x82: {  	_ =	shalt  }
0x83: {  	_ =	shalt  }
0x84: {  	_ =	shalt  }
0x85: {  	_ =	shalt  }
0x86: {  	_ =	shalt  }
0x87: {  	_ =	shalt  }
.Lfunc_end0:
.L_simem_size_0:
called_computation_lowered:
.L_overlay_start_0:
0x88: {  	s2 =	sld [smem:$0x3FD9]  }
0x89: {  	s3 =	sld [smem:$0x3FFE];
	_ =	sdelay $0x1  }
0x8a: {  	s1 =	srdreg.scid  }
0x8b: {  	s0 =	sand.u32 $0x1, s1  }
0x8c: {  	s16 =	sshll.u32 s0, $0xA;
	s2 =	sadd.s32 s3, s2  }
0x8d: {  	s2 =	sadd.s32 s2, s16  }
0x8e: {  	[smem:$0x3FC6] =	sst s2  }
0x8f: {  	_ = 	snop  }
0x90: {  	(tm) =	ssettm $0x1  }
0x91: {  	s17 =	sld [smem:$0x3FFB];
	_ =	sdelay $0x3  }
0x92: {  	_ =	strace s17  }
0x93: {  	s2 =	sld [smem:$0x3FFC];
	_ =	sdelay $0x3  }
0x94: {  	_ =	strace s2  }
0x95: {  	s2 =	sld [smem:$0x3FFD];
	_ =	sdelay $0x3  }
0x96: {  	_ =	strace s2  }
0x97: {  	_ =	strace $0x8FFFFFFF  }
0x98: {  	s18 =	sld [smem:$0x3FDB];
	_ =	sdelay $0x1  }
0x99: {  	s19 =	simm.s32 $_scs_section_size  }
0x9a: {  	s4 =	simm.s32 $_size__tile_overlayer_lowered;
	s5 =	simm.s32 $_tile_overlayer_lowered  }
0x9b: {  	s22 =	simm.s32 $0x1BFF;
	s21 =	sshll.u32 s5, $0x1;
	s2 =	sadd.s32 s19, s18  }
0x9c: {  	s6 =	simm.s32 $0x0;
	s20 =	sshll.u32 s4, $0x1;
	s4 =	sadd.s32 s21, s2  }
0x9d: {  	[timem:s6], [sflag:s22] =	dma.local [hbm:s4], s20  }
0x9e: {  	_ =	swait.ge [sflag:s22], s20  }
0x9f: {  	s3 =	ssub.s32 $0x0, s20;
	[sflag:s22] =	ssyncset.done $0x0  }
0xa0: {  	[sflag:s22] =	ssyncadd.s32 s3;
	_ =	sdelay $0x1  }
0xa1: {  	s23 =	simm.s32 $0x1B8B  }
0xa2: {  	_ =	swait.ge [sflag:s23], $0x1  }
0xa3: {  	[sflag:s23] =	ssyncset.done $0x0  }
0xa4: {  	s25 =	simm.s32 $0x1B8E;
	s24 =	sld [smem:$0x3FFE];
	[sflag:s23] =	ssyncadd.s32 $0xFFFFFFFF  }
0xa5: {  	s26 =	simm.s32 $execute0_lowered;
	[smem:$0x3FD2] =	sst s25  }
0xa6: {  	s4 =	sshll.u32 s26, $0x1;
	_ =	strace $0x80000046;
	[dreg:$0x1] =	wrdreg $0xFFFFFFFF  }
0xa7: {  	s28 =	simm.s32 $_size_execute0_lowered;
	s2 =	sadd.s32 s2, s4;
	[dreg:$0x0] =	wrdreg $0x0  }
0xa8: {  	s4 =	sshll.u32 s28, $0x1;
	[dreg:$0x2] =	wrdreg s2  }
0xa9: {  	[dreg:$0x3] =	wrdreg s4  }
0xaa: {  	[dreg:$0x4] =	wrdreg $0xC0  }
0xab: {  	_ =	task [dreg:s6], $0x5FFFF  }
0xac: {  	[dreg:$0x1] =	wrdreg $0xFFFFFFFF  }
0xad: {  	[dreg:$0x0] =	wrdreg $0x60  }
0xae: {  	[dreg:$0x2] =	wrdreg s24  }
0xaf: {  	[dreg:$0x3] =	wrdreg $0x9  }
0xb0: {  	_ =	task.clear_ibuf [dreg:s6], $0x4FFFF;
	_ =	strace $0x90000046  }
0xb1: {  	s29 =	simm.s32 $0x9;
	_ =	strace $0x80000048  }
0xb2: {  	_ =	swait.ge [sflag:s29], $0x1  }
0xb3: {  	[sflag:s29] =	ssyncadd.s32 $0xFFFFFFFF  }
0xb4: {  	_ =	strace $0x90000048  }
0xb5: {  	_ =	sfence  }
0xb6: {  	s30 =	sld [smem:$0x0];
	_ =	sdelay $0x2  }
0xb7: {  	s31 =	sshll.u32 s1, $0xD;
	s1 =	sshrl.u32 s1, $0x2  }
0xb8: {  	s3 =	sand.u32 $0x4000, s31;
	s1 =	sadd.s32 s1, s30  }
0xb9: {  	s0 =	sor.u32 s3, s0;
	s1 =	sshll.u32 s1, $0x11  }
0xba: {  	s0 =	sor.u32 s1, s0  }
0xbb: {  	s0 =	sadd.s32 $0x8F2B, s0  }
0xbc: {  	[sflag:s0] =	ssyncadd.remote.s32 $0x1  }
0xbd: {  	_ =	sfence.sel $0xFFFF  }
0xbe: {  	[dreg:$0x0] =	wrdreg $0xFFFFFFFF;
	(pc) =	sbr.abs _section_cstart, $3  }
0xbf: {  	[dreg:$0x1] =	wrdreg $0xFFFFFFFF  }
0xc0: {  	_ =	task.clear_ibuf [dreg:s6], $0x2FFFF;
	_ =	strace $0x9FFFFFFF  }
0xc1: {  	(tm) =	ssettm $0x7FFFFFFF  }
tec
execute0_lowered:
.L_overlay_start_1:
0x0: {  	(tag) =	ssettag $0x1  }
0x1: {  	v0 =	vimm.s32 $0xEFCDAB89;
	v1 =	vimm.s32 $0x67452301;
	v2 =	vimm.s32 $0xDCFE98BA  }
0x2: {  	s3 =	rddreg [dreg:$0x0];
	v3 =	vimm.s32 $0x54761032;
	v4 =	vimm.s32 $0xBA98FEDC;
	v5 =	vimm.s32 $0x32107654  }
0x3: {  	s0 =	rddreg [dreg:$0x1];
	s2 =	simm.s32 $0x0;
	s4 =	srdreg.scid;
	v0 =	vunpack.c.l.s4.s8 v0;
	v1 =	vunpack.c.l.s4.s8 v1;
	v2 =	vunpack.c.l.s4.s8 v2  }
0x4: {  	s1 =	stileid.u32;
	s8 =	simm.s32 $0x4000;
	s9 =	simm.s32 $0x4800;
	v3 =	vunpack.c.l.s4.s8 v3;
	v4 =	vunpack.c.l.s4.s8 v4;
	v5 =	vunpack.c.l.s4.s8 v5  }
0x5: {  	[smem:$0x7FF] =	sst s2;
	s4 =	sand.u32 $0x1, s4;
	s5 =	sshll.u32 s1, $0x1;
	v6 =	vunpack.c.0.s8.s32 v0;
	v1 =	vunpack.c.0.s8.s32 v1;
	v2 =	vunpack.c.0.s8.s32 v2  }
0x6: {  	s10 =	simm.s32 $0x0;
	_ =	strace $0x80000047;
	s5 =	sor.u32 s4, s5;
	v3 =	vunpack.c.0.s8.s32 v3;
	v4 =	vunpack.c.0.s8.s32 v4;
	v5 =	vunpack.c.0.s8.s32 v5  }
0x7: {  	vm0 =	vmmov $0xff;
	s4 =	ssub.s32 $0x2, s4;
	s6 =	sshll.u32 s5, $0xB;
	s5 =	sshll.u32 s5, $0x8;
	v6 =	vcombine.low v1, v6  }
0x8: {  	s31 =	sshrl.u32 s4, $0x1;
	v0 =	vlaneseq.u32;
	s6 =	sadd.s32 s6, s3;
	s5 =	sadd.s32 s5, s3;
	v7 =	vcombine.low v3, v2;
	v8 =	vcombine.low v5, v4  }
0x9: {  	s7 =	ssub.s32 s4, s31;
	s3 =	sadd.s32 $0x1600, s6;
	s4 =	sadd.s32 $0x13600, s5;
	v1 =	vor.u32 $0x10, v0;
	v2 =	vor.u32 $0x20, v0;
	v3 =	vor.u32 $0x30, v0  }
0xa: {  	s5 =	sadd.s32 $0x11600, s5;
	s6 =	smax.u32 s7, $0x1;
	s7 =	simm.s32 $0x1;
	v4 =	vand.u32 $0xF, v6;
	v5 =	vand.u32 $0xF, v7;
	v6 =	vand.u32 $0xF, v8  }
.LBB2_1:
0xb: {  	[tilespmem:s2], [sflag:$0x1] =	stream.linear.gather [hbm4b:s3+s2], $0x4000, $0x38;
	[tilespmem:$0x5000] =	vst v63  }
0xc: {  	_ =	swait.ge [sflag:s7], $0x4000  }
0xd: {  	[sflag:s7] =	ssyncset.done $0x0  }
0xe: {  	s11 =	simm.s32 $0x80;
	[sflag:s7] =	ssyncadd.s32 $0xFFFFC000  }
0xf: {  	v7 =	vld [tilespmem:s11+$0x20]  }
0x10: {  	v8 =	vld [tilespmem:s11+$0x30];
	_ =	sdelay $0x1  }
0x11: {  	s12 =	simm.s32 $0xC0;
	v9 =	vld [tilespmem:s11+$0xFFFFFFB0]  }
0x12: {  	s13 =	sor.u32 $0x70, s12;
	v10 =	vld [tilespmem:s11+$0xFFFFFFA0]  }
0x13: {  	v11 =	vld [tilespmem:s13+$0x0];
	(xrf1) =	vsort.dscd.msk.f32 $0xffff, v7, v2  }
0x14: {  	v12 =	vld [tilespmem:s11+$0x10];
	(xrf1) =	vsort.ascd.msk.f32 $0xffff, v8, v3  }
0x15: {  	v7 =	vld [tilespmem:s11+$0x0]  }
0x16: {  	(xrf1) =	vsort.ascd.msk.f32 $0xffff, v9, v3  }
0x17: {  	s23 =	sor.u32 $0x50, s12;
	(xrf1) =	vsort.dscd.msk.f32 $0xffff, v10, v2  }
0x18: {  	v8 =	vld [tilespmem:s23+$0x0];
	(xrf1) =	vsort.ascd.msk.f32 $0xffff, v11, v3  }
0x19: {  	v9 =	vld [tilespmem:s11+$0x40];
	(xrf1) =	vsort.ascd.msk.f32 $0xffff, v12, v1  }
0x1a: {  	s12 =	sor.u32 $0x60, s12;
	(xrf1) =	vsort.dscd.msk.f32 $0xffff, v7, v0;
	v7 =	vld [tilespmem:s11+$0xFFFFFF90]  }
0x1b: {  	v10 =	vld [tilespmem:s12+$0x0]  }
0x1c: {  	v11 =	vld [tilespmem:s11+$0xFFFFFF80]  }
0x1d: {  	s24 =	simm.s32 $0x40;
	(xrf1) =	vsort.ascd.msk.f32 $0xffff, v8, v1  }
0x1e: {  	s25 =	sor.u32 $0x60, s24;
	(xrf1) =	vsort.dscd.msk.f32 $0xffff, v9, v0  }
0x1f: {  	v8 =	vld [tilespmem:s25+$0x0];
	(xrf1) =	vsort.ascd.msk.f32 $0xffff, v7, v1  }
0x20: {  	(xrf1) =	vsort.dscd.msk.f32 $0xffff, v10, v2  }
0x21: {  	s26 =	sor.u32 $0x70, s24;
	(xrf1) =	vsort.dscd.msk.f32 $0xffff, v11, v0;
	v9, v10, _ =	vpop (xrf1)  }
0x22: {  	v7 =	vld [tilespmem:s26+$0x0];
	v11, v12, _ =	vpop (xrf1)  }
0x23: {  	v9 =	vsel vm0, v9, v11  }
0x24: {  	(xrf1) =	vsort.dscd.msk.f32 $0xffff, v8, v2;
	v13, v14, _ =	vpop (xrf1);
	v8 =	vsel vm0, v10, v12  }
0x25: {  	v10, v11, _ =	vpop (xrf1)  }
0x26: {  	(xrf1) =	vsort.ascd.msk.f32 $0xffff, v9, v8;
	v12, v15, _ =	vpop (xrf1)  }
0x27: {  	(xrf1) =	vsort.ascd.msk.f32 $0xffff, v7, v3;
	v8, v9, _ =	vpop (xrf1)  }
0x28: {  	v7, v16, _ =	vpop (xrf1)  }
0x29: {  	v7 =	vsel vm0, v7, v8;
	v8 =	vsel vm0, v16, v9  }
0x2a: {  	s12 =	sor.u32 $0x50, s24;
	(xrf1) =	vsort.dscd.msk.f32 $0xffff, v7, v8;
	v7 =	vld [tilespmem:s11+$0xFFFFFFC0]  }
0x2b: {  	v9, v16, _ =	vpop (xrf1);
	v8 =	vld [tilespmem:s12+$0x0]  }
0x2c: {  	v17, v18, _ =	vpop (xrf1)  }
0x2d: {  	v19, v20, _ =	vpop (xrf1)  }
0x2e: {  	v21, v22, _ =	vpop (xrf1)  }
0x2f: {  	v23, v24, _ =	vpop (xrf1);
	(xrf1) =	vsort.dscd.msk.f32 $0xffff, v7, v0  }
0x30: {  	v16 =	vsel vm0, v18, v16;
	(xrf1) =	vsort.ascd.msk.f32 $0xffff, v8, v1;
	v8 =	vsel vm0, v24, v20  }
0x31: {  	s28 =	simm.s32 $0x180;
	v11 =	vsel vm0, v11, v14;
	v7 =	vsel vm0, v23, v19  }
0x32: {  	v19 =	vld [tilespmem:s28+$0x20];
	(xrf1) =	vsort.dscd.msk.f32 $0xffff, v7, v8;
	v7 =	vsel vm0, v10, v13  }
0x33: {  	v9 =	vsel vm0, v17, v9;
	v8, v10, _ =	vpop (xrf1)  }
0x34: {  	v14 =	vsel vm0, v22, v15;
	v13 =	vld [tilespmem:s28+$0x30];
	(xrf1) =	vsort.dscd.msk.f32 $0xffff, v9, v16;
	v15, v16, _ =	vpop (xrf1)  }
0x35: {  	v12 =	vsel vm0, v21, v12;
	v9 =	vld [tilespmem:s28+$0xFFFFFFB0];
	(xrf1) =	vsort.ascd.msk.f32 $0xffff, v7, v11;
	v7, v11, _ =	vpop (xrf1)  }
0x36: {  	s29 =	simm.s32 $0x1C0;
	(xrf1) =	vsort.ascd.msk.f32 $0xffff, v12, v14;
	v7 =	vsel vm0, v8, v7;
	v8 =	vsel vm0, v10, v11  }
0x37: {  	s30 =	sor.u32 $0x70, s29;
	v12 =	vld [tilespmem:s28+$0xFFFFFFA0];
	(xrf1) =	vsort.dscd.msk.f32 $0xffff, v19, v2  }
0x38: {  	v10 =	vld [tilespmem:s30+$0x0];
	(xrf1) =	vsort.ascd.msk.f32 $0xffff, v7, v8  }
0x39: {  	v7 =	vld [tilespmem:s28+$0x10];
	(xrf1) =	vsort.ascd.msk.f32 $0xffff, v13, v3;
	v8, v11, _ =	vpop (xrf1)  }
0x3a: {  	v13 =	vld [tilespmem:s28+$0x0];
	(xrf1) =	vsort.ascd.msk.f32 $0xffff, v9, v3;
	v11 =	vsel vm0, v11, v16;
	v8 =	vsel vm0, v8, v15  }
0x3b: {  	(xrf1) =	vsort.dscd.msk.f32 $0xffff, v8, v11  }
0x3c: {  	s31 =	sor.u32 $0x50, s29;
	(xrf1) =	vsort.dscd.msk.f32 $0xffff, v12, v2  }
0x3d: {  	v8 =	vld [tilespmem:s31+$0x0];
	(xrf1) =	vsort.ascd.msk.f32 $0xffff, v10, v3  }
0x3e: {  	v9 =	vld [tilespmem:s28+$0x40];
	(xrf1) =	vsort.ascd.msk.f32 $0xffff, v7, v1  }
0x3f: {  	s12 =	sor.u32 $0x60, s29;
	v7 =	vld [tilespmem:s28+$0xFFFFFF90];
	v10, v11, _ =	vpop (xrf1);
	(xrf1) =	vsort.dscd.msk.f32 $0xffff, v13, v0  }
0x40: {  	v12 =	vld [tilespmem:s12+$0x0];
	v13, v14, _ =	vpop (xrf1)  }
0x41: {  	s14 =	simm.s32 $0x140;
	v15, v16, _ =	vpop (xrf1)  }
0x42: {  	s15 =	sor.u32 $0x60, s14;
	v17 =	vld [tilespmem:s28+$0xFFFFFF80];
	v11 =	vsel vm0, v11, v14;
	v18, v19, _ =	vpop (xrf1);
	(xrf1) =	vsort.ascd.msk.f32 $0xffff, v8, v1  }
0x43: {  	v10 =	vsel vm0, v10, v13;
	v8 =	vld [tilespmem:s15+$0x0];
	v20, v21, _ =	vpop (xrf1);
	(xrf1) =	vsort.dscd.msk.f32 $0xffff, v9, v0  }
0x44: {  	(xrf1) =	vsort.ascd.msk.f32 $0xffff, v7, v1;
	v7, v9, _ =	vpop (xrf1)  }
0x45: {  	(xrf1) =	vsort.dscd.msk.f32 $0xffff, v12, v2;
	v12, v13, _ =	vpop (xrf1)  }
0x46: {  	(xrf1) =	vsort.dscd.msk.f32 $0xffff, v10, v11;
	v10, v11, _ =	vpop (xrf1)  }
0x47: {  	s16 =	sor.u32 $0x70, s14;
	v7 =	vsel vm0, v18, v7;
	v18 =	vsel vm0, v19, v9;
	(xrf1) =	vsort.dscd.msk.f32 $0xffff, v17, v0;
	v17, v22, _ =	vpop (xrf1)  }
0x48: {  	v14 =	vld [tilespmem:s16+$0x0];
	v19, v23, _ =	vpop (xrf1);
	(xrf1) =	vsort.dscd.msk.f32 $0xffff, v8, v2;
	v8 =	vsel vm0, v15, v20;
	v15 =	vsel vm0, v16, v21  }
0x49: {  	(xrf1) =	vsort.dscd.msk.f32 $0xffff, v7, v18;
	v7 =	vsel vm0, v12, v17;
	v16, v9, _ =	vpop (xrf1)  }
0x4a: {  	v12 =	vsel vm0, v13, v22;
	v13, v17, _ =	vpop (xrf1)  }
0x4b: {  	(xrf1) =	vsort.dscd.msk.f32 $0xffff, v8, v15;
	v15, v18, _ =	vpop (xrf1)  }
0x4c: {  	(xrf1) =	vsort.ascd.msk.f32 $0xffff, v7, v12;
	v7, v8, _ =	vpop (xrf1)  }
0x4d: {  	(xrf1) =	vsort.ascd.msk.f32 $0xffff, v14, v3;
	v12, v14, _ =	vpop (xrf1)  }
0x4e: {  	v8 =	vsel vm0, v14, v8;
	_ =	sdelay $0x1  }
0x4f: {  	v7 =	vsel vm0, v12, v7  }
0x50: {  	s12 =	sor.u32 $0x50, s14;
	(xrf1) =	vsort.dscd.msk.f32 $0xffff, v7, v8;
	v7 =	vld [tilespmem:s28+$0xFFFFFFC0];
	v8, v12, _ =	vpop (xrf1)  }
0x51: {  	v14 =	vld [tilespmem:s12+$0x0];
	v20, v21, _ =	vpop (xrf1)  }
0x52: {  	v22, v24, _ =	vpop (xrf1)  }
0x53: {  	v25, v26, _ =	vpop (xrf1)  }
0x54: {  	v27, v28, _ =	vpop (xrf1)  }
0x55: {  	v8 =	vsel vm0, v20, v8;
	v12 =	vsel vm0, v21, v12;
	(xrf1) =	vsort.dscd.msk.f32 $0xffff, v7, v0;
	v29, v30, _ =	vpop (xrf1)  }
0x56: {  	v16 =	vsub.f32 $0.0e+00, v16;
	(xrf1) =	vsort.ascd.msk.f32 $0xffff, v14, v1;
	v14 =	vsel vm0, v29, v22;
	v24 =	vsel vm0, v30, v24  }
0x57: {  	s17 =	simm.s32 $0x280;
	v22, v29, _ =	vpop (xrf1);
	(xrf1) =	vsort.dscd.msk.f32 $0xffff, v14, v24;
	v14 =	vsel vm0, v17, v23  }
0x58: {  	v13 =	vsel vm0, v13, v19;
	v16 =	vmul.f32 $1.442695020e+00, v16;
	v30 =	vld [tilespmem:s17+$0x20];
	v20, v7, _ =	vpop (xrf1)  }
0x59: {  	(xrf1) =	vsort.dscd.msk.f32 $0xffff, v8, v12;
	v12, v8, _ =	vpop (xrf1)  }
0x5a: {  	(erf) = vpow2.f32 v16;
	v16 =	vsel vm0, v26, v18;
	v17 =	vld [tilespmem:s17+$0x30];
	v18, v21, _ =	vpop (xrf1)  }
0x5b: {  	v19 =	vld [tilespmem:s17+$0xFFFFFFB0];
	v15 =	vsel vm0, v25, v15;
	(xrf1) =	vsort.ascd.msk.f32 $0xffff, v13, v14;
	v13, v14, _ =	vpop (xrf1)  }
0x5c: {  	s18 =	simm.s32 $0x2C0;
	(xrf1) =	vsort.ascd.msk.f32 $0xffff, v15, v16;
	v14 =	vsel vm0, v29, v14  }
0x5d: {  	s19 =	sor.u32 $0x70, s18;
	v15 =	vld [tilespmem:s17+$0xFFFFFFA0];
	(xrf1) =	vsort.dscd.msk.f32 $0xffff, v30, v2;
	v13 =	vsel vm0, v22, v13  }
0x5e: {  	v16 =	vld [tilespmem:s19+$0x0];
	(xrf1) =	vsort.ascd.msk.f32 $0xffff, v13, v14  }
0x5f: {  	v13 =	vld [tilespmem:s17+$0x10];
	(xrf1) =	vsort.ascd.msk.f32 $0xffff, v17, v3;
	v14, v22, _ =	vpop (xrf1)  }
0x60: {  	s20 =	sor.u32 $0x50, s18;
	v17 =	vld [tilespmem:s17+$0x0];
	(xrf1) =	vsort.ascd.msk.f32 $0xffff, v19, v3;
	v21 =	vsel vm0, v22, v21;
	v14 =	vsel vm0, v14, v18  }
0x61: {  	v18 =	vld [tilespmem:s20+$0x0];
	(xrf1) =	vsort.dscd.msk.f32 $0xffff, v14, v21  }
0x62: {  	(xrf1) =	vsort.dscd.msk.f32 $0xffff, v15, v2  }
0x63: {  	v14 =	vld [tilespmem:s17+$0x40];
	(xrf1) =	vsort.ascd.msk.f32 $0xffff, v16, v3  }
0x64: {  	s12 =	sor.u32 $0x60, s18;
	v11 =	vsel vm0, v28, v11;
	v15 =	vld [tilespmem:s17+$0xFFFFFF90];
	(xrf1) =	vsort.ascd.msk.f32 $0xffff, v13, v1  }
0x65: {  	v10 =	vsel vm0, v27, v10;
	v13 =	vld [tilespmem:s12+$0x0];
	v19, v21, _ =	vpop (xrf1);
	(xrf1) =	vsort.dscd.msk.f32 $0xffff, v17, v0  }
0x66: {  	v17, v22, _ =	vpop (xrf1);
	(xrf1) =	vsort.ascd.msk.f32 $0xffff, v18, v1  }
0x67: {  	v18 =	vld [tilespmem:s17+$0xFFFFFF80];
	v23, v24, _ =	vpop (xrf1);
	(xrf1) =	vsort.dscd.msk.f32 $0xffff, v10, v11  }
0x68: {  	s21 =	simm.s32 $0x240;
	v10, v11, _ =	vpop (xrf1);
	(xrf1) =	vsort.dscd.msk.f32 $0xffff, v14, v0  }
0x69: {  	s22 =	sor.u32 $0x60, s21;
	v14, v25, _ =	vpop (xrf1);
	(xrf1) =	vsort.ascd.msk.f32 $0xffff, v15, v1;
	v15 =	vsel vm0, v19, v17  }
0x6a: {  	v17 =	vld [tilespmem:s22+$0x0];
	v19 =	vsel vm0, v21, v22;
	v21, v22, _ =	vpop (xrf1);
	(xrf1) =	vsort.dscd.msk.f32 $0xffff, v13, v2  }
0x6b: {  	v20 =	vsub.f32 $0.0e+00, v20;
	v13, v26, _ =	vpop (xrf1);
	(xrf1) =	vsort.dscd.msk.f32 $0xffff, v15, v19  }
0x6c: {  	v21 =	vsel vm0, v10, v21;
	(xrf1) =	vsort.dscd.msk.f32 $0xffff, v18, v0;
	v15, v18, _ =	vpop (xrf1)  }
0x6d: {  	v12 =	vsub.f32 $0.0e+00, v12;
	v20 =	vmul.f32 $1.442695020e+00, v20;
	v11 =	vsel vm0, v11, v22;
	v19, v27, _ =	vpop (xrf1)  }
0x6e: {  	v28, v29, _ =	vpop (xrf1)  }
0x6f: {  	v12 =	vmul.f32 $1.442695020e+00, v12;
	v14 =	vsel vm0, v23, v14;
	(xrf1) =	vsort.dscd.msk.f32 $0xffff, v17, v2;
	v13 =	vsel vm0, v13, v19;
	v17, v10, _ =	vpop (xrf1)  }
0x70: {  	(xrf1) =	vsort.dscd.msk.f32 $0xffff, v21, v11;
	v11, v21, _ =	vpop (xrf1)  }
0x71: {  	s23 =	sor.u32 $0x70, s21;
	v22 =	vsel vm0, v24, v25;
	v23, v24, _ =	vpop (xrf1)  }
0x72: {  	v30 =	vld [tilespmem:s23+$0x0];
	(erf) = vpow2.f32 v20;
	v19 =	vsel vm0, v26, v27;
	(xrf1) =	vsort.dscd.msk.f32 $0xffff, v14, v22;
	v14, v20, _ =	vpop (xrf1)  }
0x73: {  	(erf) = vpow2.f32 v12;
	(xrf1) =	vsort.ascd.msk.f32 $0xffff, v13, v19;
	v12, v13, _ =	vpop (xrf1)  }
0x74: {  	v25, v26, _ =	vpop (xrf1);
	v12 =	vsel vm0, v12, v14;
	v14 =	vsel vm0, v13, v20  }
0x75: {  	s12 =	sor.u32 $0x50, s21;
	v19 =	vld [tilespmem:s17+$0xFFFFFFC0];
	v20, v13, _ =	vpop (xrf1)  }
0x76: {  	v16 =	vpop (erf);
	v22 =	vld [tilespmem:s12+$0x0];
	v20 =	vsub.f32 $0.0e+00, v20  }
0x77: {  	(xrf1) =	vsort.ascd.msk.f32 $0xffff, v30, v3;
	v27, v30, _ =	vpop (xrf1)  }
0x78: {  	(xrf1) =	vsort.dscd.msk.f32 $0xffff, v12, v14;
	v12, v14, _ =	vpop (xrf1);
	v20 =	vmul.f32 $1.442695020e+00, v20  }
0x79: {  	v31, v32, _ =	vpop (xrf1)  }
0x7a: {  	v17 =	vsub.f32 $0.0e+00, v17;
	(xrf1) =	vsort.dscd.msk.f32 $0xffff, v19, v0;
	v19, v33, _ =	vpop (xrf1)  }
0x7b: {  	(xrf1) =	vsort.ascd.msk.f32 $0xffff, v22, v1;
	v22, v34, _ =	vpop (xrf1)  }
0x7c: {  	v17 =	vmul.f32 $1.442695020e+00, v17;
	(erf) = vpow2.f32 v20;
	v20 =	vpop (erf);
	v12 =	vsel vm0, v22, v12  }
0x7d: {  	v14 =	vsel vm0, v34, v14;
	v22 =	vsel vm0, v27, v25;
	v25 =	vsel vm0, v30, v26;
	v26 =	vpop (erf)  }
0x7e: {  	(xrf1) =	vsort.dscd.msk.f32 $0xffff, v12, v14;
	v12 =	vadd.f32 $1.000000000e+00, v26;
	_ =	sdelay $0x1  }
0x7f: {  	(xrf1) =	vsort.dscd.msk.f32 $0xffff, v22, v25;
	v22 =	vsel vm0, v11, v28  }
0x80: {  	v24 =	vsel vm0, v32, v24;
	(erf) = vpow2.f32 v17;
	v14, v17, _ =	vpop (xrf1)  }
0x81: {  	s20 =	simm.s32 $0x380;
	v21 =	vsel vm0, v21, v29;
	v23 =	vsel vm0, v31, v23;
	v25, v11, _ =	vpop (xrf1)  }
0x82: {  	v26 =	vld [tilespmem:s20+$0x20];
	(xrf1) =	vsort.ascd.msk.f32 $0xffff, v22, v21;
	(erf) = vrcp.f32 v12;
	v22, v12, _ =	vpop (xrf1)  }
0x83: {  	v16 =	vadd.f32 $1.000000000e+00, v16;
	v27, v28, _ =	vpop (xrf1)  }
0x84: {  	v21 =	vld [tilespmem:s20+$0x30];
	(xrf1) =	vsort.ascd.msk.f32 $0xffff, v23, v24;
	v23, v24, _ =	vpop (xrf1)  }
0x85: {  	v25 =	vsub.f32 $0.0e+00, v25;
	(erf) = vrcp.f32 v16;
	v16 =	vld [tilespmem:s20+$0xFFFFFFB0];
	v17 =	vsel vm0, v17, v24  }
0x86: {  	s21 =	simm.s32 $0x3C0;
	v14 =	vsel vm0, v14, v23  }
0x87: {  	s24 =	sor.u32 $0x70, s21;
	v29 =	vld [tilespmem:s20+$0xFFFFFFA0];
	v25 =	vmul.f32 $1.442695020e+00, v25;
	(xrf1) =	vsort.dscd.msk.f32 $0xffff, v26, v2  }
0x88: {  	v20 =	vadd.f32 $1.000000000e+00, v20;
	v23 =	vpop (erf);
	v24 =	vld [tilespmem:s24+$0x0];
	(xrf1) =	vsort.ascd.msk.f32 $0xffff, v14, v17  }
0x89: {  	(erf) = vpow2.f32 v25;
	v25 =	vld [tilespmem:s20+$0x10];
	v23 =	vadd.f32 $1.000000000e+00, v23;
	(xrf1) =	vsort.ascd.msk.f32 $0xffff, v21, v3;
	v14, v17, _ =	vpop (xrf1)  }
0x8a: {  	s25 =	sor.u32 $0x50, s21;
	(erf) = vrcp.f32 v20;
	v20 =	vld [tilespmem:s20+$0x0];
	v21 =	vpop (erf);
	(xrf1) =	vsort.ascd.msk.f32 $0xffff, v16, v3;
	v17 =	vsel vm0, v17, v28;
	v14 =	vsel vm0, v14, v27  }
0x8b: {  	(erf) = vrcp.f32 v23;
	v16, v26, _ =	vpop (xrf1);
	v27 =	vld [tilespmem:s25+$0x0];
	(xrf1) =	vsort.dscd.msk.f32 $0xffff, v14, v17  }
0x8c: {  	v28, v30, _ =	vpop (xrf1);
	(xrf1) =	vsort.dscd.msk.f32 $0xffff, v29, v2  }
0x8d: {  	v17 =	vld [tilespmem:s20+$0x40];
	v14 =	vpop (erf);
	(xrf1) =	vsort.ascd.msk.f32 $0xffff, v24, v3  }
0x8e: {  	s26 =	sor.u32 $0x60, s21;
	v24 =	vld [tilespmem:s20+$0xFFFFFF90];
	v23 =	vpop (erf);
	(xrf1) =	vsort.ascd.msk.f32 $0xffff, v25, v1  }
0x8f: {  	v31 =	vld [tilespmem:s26+$0x0];
	v25, v29, _ =	vpop (xrf1);
	(xrf1) =	vsort.dscd.msk.f32 $0xffff, v20, v0  }
0x90: {  	v15 =	vsel vm0, v19, v15;
	v19 =	vsel vm0, v33, v18;
	v50, v35, _ =	vpop (xrf1);
	(xrf1) =	vsort.ascd.msk.f32 $0xffff, v27, v1  }
0x91: {  	v20 =	vsub.f32 $0.0e+00, v22;
	v18 =	vnsel vm0, $0x0, v23;
	v52, v51, _ =	vpop (xrf1);
	(xrf1) =	vsort.dscd.msk.f32 $0xffff, v15, v19  }
0x92: {  	v27 =	vpop (erf);
	v19 =	vperm.xlane v18, v4;
	(xrf1) =	vsort.dscd.msk.f32 $0xffff, v17, v0  }
0x93: {  	v37 =	vmul.f32 $1.442695020e+00, v20;
	v20 =	vsel vm0, v16, v28;
	v17 =	vpop (erf);
	(xrf1) =	vsort.ascd.msk.f32 $0xffff, v24, v1  }
0x94: {  	v28 =	vadd.f32 v18, v19;
	v19 =	vsel vm0, v26, v30;
	v16 =	vnsel vm0, $0x0, v17;
	v17 =	vpop (erf);
	(xrf1) =	vsort.dscd.msk.f32 $0xffff, v31, v2  }
0x95: {  	v15 =	vnsel vm0, $0x0, v14;
	v14, v24, _ =	vpop (xrf1);
	(xrf1) =	vsort.dscd.msk.f32 $0xffff, v20, v19;
	v19 =	vnsel vm0, $0x0, v17;
	v17 =	vperm.xlane v16, v4  }
0x96: {  	s28 =	simm.s32 $0x340;
	v39 =	vld [tilespmem:s20+$0xFFFFFF80];
	v22 =	vadd.f32 $1.000000000e+00, v21;
	v23 =	vadd.f32 $1.000000000e+00, v27;
	v26 =	vperm.xlane v15, v4;
	v31, v38, _ =	vpop (xrf1)  }
0x97: {  	s29 =	sor.u32 $0x60, s28;
	v27 =	vperm.xlane v28, v5;
	v21, v20, _ =	vpop (xrf1);
	v36 =	vperm.xlane v19, v4;
	v17 =	vadd.f32 v16, v17  }
0x98: {  	v41 =	vld [tilespmem:s29+$0x0];
	v25 =	vsel vm0, v25, v52;
	v26 =	vadd.f32 v15, v26;
	v53, v40, _ =	vpop (xrf1)  }
0x99: {  	v27 =	vadd.f32 v28, v27;
	v34, v30, _ =	vpop (xrf1);
	v28 =	vadd.f32 v19, v36;
	v44 =	vperm.xlane v17, v5  }
0x9a: {  	v42 =	vsel vm0, v50, v14;
	v24 =	vsel vm0, v35, v24;
	v43 =	vperm.xlane v26, v5;
	v32, v14, _ =	vpop (xrf1)  }
0x9b: {  	(xrf1) =	vsort.dscd.msk.f32 $0xffff, v39, v0;
	v36, v35, _ =	vpop (xrf1);
	v46 =	vperm.xlane v28, v5;
	v17 =	vadd.f32 v17, v44  }
0x9c: {  	s30 =	sor.u32 $0x70, s28;
	v29 =	vsel vm0, v29, v51;
	v45 =	vperm.xlane v27, v6;
	v54 =	vsub.f32 $0.0e+00, v32;
	v33, v32, _ =	vpop (xrf1)  }
0x9d: {  	v57 =	vld [tilespmem:s30+$0x0];
	v26 =	vadd.f32 v26, v43;
	(xrf1) =	vsort.dscd.msk.f32 $0xffff, v41, v2;
	v55, v56, _ =	vpop (xrf1);
	v28 =	vadd.f32 v28, v46  }
0x9e: {  	(erf) = vpow2.f32 v37;
	v31 =	vsel vm0, v31, v53;
	v59, v58, _ =	vpop (xrf1);
	v60 =	vperm.xlane v17, v6;
	(xrf1) =	vsort.dscd.msk.f32 $0xffff, v42, v24  }
0x9f: {  	v38 =	vsel vm0, v38, v40;
	v61 =	vperm.xlane v26, v6;
	v37, v40, _ =	vpop (xrf1);
	v48 =	vperm.xlane v28, v6  }
0xa0: {  	v27 =	vadd.f32 v27, v45;
	(xrf1) =	vsort.dscd.msk.f32 $0xffff, v25, v29;
	v62 =	vadd.f32 v17, v60;
	v45, v17, _ =	vpop (xrf1)  }
0xa1: {  	v46 =	vadd.f32 v26, v61;
	v26 =	vadd.f32 v28, v48;
	v28, v29, _ =	vpop (xrf1);
	(xrf1) =	vsort.ascd.msk.f32 $0xffff, v31, v38  }
0xa2: {  	v24 =	vadd.f32 $9.999999680e-21, v27;
	v42, v41, _ =	vpop (xrf1);
	(xrf1) =	vsort.ascd.msk.f32 $0xffff, v57, v3;
	_ =	sdelay $0x1  }
0xa3: {  	s31 =	sor.u32 $0x50, s28;
	(erf) = vrcp.f32 v24;
	v40 =	vsel vm0, v29, v40;
	v29 =	vld [tilespmem:s20+$0xFFFFFFC0]  }
0xa4: {  	s13 =	simm.s32 $0x38;
	v27 =	vsel vm0, v58, v56;
	v31 =	vld [tilespmem:s31+$0x0]  }
0xa5: {  	s11 =	simm.s32 $0x38;
	s14 =	simm.s32 $0x20;
	s16 =	simm.s32 $0x18;
	v47 =	vsel vm0, v59, v55;
	v24 =	vsub.f32 $0.0e+00, v45;
	v63 =	vadd.f32 $9.999999680e-21, v62  }
0xa6: {  	s15 =	simm.s32 $0x30;
	s18 =	simm.s32 $0x10;
	s19 =	simm.s32 $0x8;
	v25 =	vmul.f32 $1.442695020e+00, v54;
	v39 =	vsel vm0, v28, v37;
	v28 =	vadd.f32 $9.999999680e-21, v26;
	v38, v37, _ =	vpop (xrf1);
	(xrf1) =	vsort.dscd.msk.f32 $0xffff, v47, v27  }
0xa7: {  	s22 =	simm.s32 $0xC;
	s12 =	simm.s32 $0x28;
	s17 =	simm.s32 $0x0;
	v43 =	vmul.f32 $1.442695020e+00, v24;
	v24 =	vadd.f32 $9.999999680e-21, v46;
	(erf) = vrcp.f32 v63;
	v27, v26, _ =	vpop (xrf1)  }
.LBB2_2:
0xa8: {  	s22 =	sadd.s32 $0x4, s22;
	v44, v45, _ =	vpop (xrf1);
	(xrf1) =	vsort.dscd.msk.f32 $0xffff, v29, v0;
	s11 =	sadd.s32 $0x20, s11;
	(erf) = vrcp.f32 v28  }
0xa9: {  	p0 =	slt.u32 s22, $0xFC;
	(xrf1) =	vsort.ascd.msk.f32 $0xffff, v31, v1;
	s23 =	sadd.s32 $0xFFFFFFE8, s11;
	s24 =	sadd.s32 $0xFFFFFFF8, s11;
	v28 =	vpop (erf);
	(erf) = vpow2.f32 v43  }
0xaa: {  	v29 =	vsel vm0, v44, v42;
	v31 =	vsel vm0, v36, v34;
	s25 =	sadd.s32 $0xFFFFFFF0, s11;
	v34, v36, _ =	vpop (xrf1);
	(erf) = vrcp.f32 v24  }
0xab: {  	v30 =	vsel vm0, v35, v30;
	s20 =	sadd.s32 $0x100, s20;
	v24 =	vsel vm0, v45, v41;
	v35, v41, _ =	vpop (xrf1)  }
0xac: {  	v42 =	vld [tilespmem:s20+$0xFFFFFFB0];
	(xrf1) =	vsort.dscd.msk.f32 $0xffff, v29, v24;
	v24 =	vsub.f32 $0.0e+00, v35;
	(erf) = vpow2.f32 v25;
	v25 =	vpop (erf)  }
0xad: {  	v28 =	vadd.f32 $1.000000000e+00, v28;
	v29 =	vld [tilespmem:s20+$0x30];
	(xrf1) =	vsort.dscd.msk.f32 $0xffff, v39, v40;
	v35, v39, _ =	vpop (xrf1);
	v40 =	vor.u32 s18, v0;
	s18 =	smov.u32 s15;
	s15 =	smov.u32 s24  }
0xae: {  	v33 =	vsel vm0, v38, v33;
	v32 =	vsel vm0, v37, v32;
	v43 =	vld [tilespmem:s20+$0x20];
	v37, v38, _ =	vpop (xrf1);
	v35 =	vsub.f32 $0.0e+00, v35  }
0xaf: {  	v45 =	vmul.f32 $1.442695020e+00, v24;
	v44 =	vld [tilespmem:s20+$0x10];
	(xrf1) =	vsort.ascd.msk.f32 $0xffff, v31, v30;
	v30, v31, _ =	vpop (xrf1);
	(erf) = vrcp.f32 v28  }
0xb0: {  	v18 =	vmul.f32 v25, v18;
	v28 =	vld [tilespmem:s20+$0x0];
	(erf) = vrcp.f32 v22;
	v22 =	vpop (erf)  }
0xb1: {  	v24 =	vmul.f32 $1.442695020e+00, v35;
	v25 =	vld [tilespmem:s20+$0xFFFFFFA0];
	(xrf1) =	vsort.ascd.msk.f32 $0xffff, v33, v32;
	v32 =	vor.u32 s17, v0;
	v33 =	vpop (erf);
	s17 =	smov.u32 s14;
	s14 =	smov.u32 s23  }
0xb2: {  	s21 =	sadd.s32 $0x100, s21;
	v48 =	vsel vm0, v34, v30;
	v47 =	vsel vm0, v36, v31;
	v36 =	vadd.s32 s19, v0;
	s19 =	smov.u32 s12;
	s12 =	smov.u32 s25;
	v35 =	vld [tilespmem:s20+$0xFFFFFF90];
	v34 =	vpop (erf);
	[tilespmem:v40+s8+$0x0] =	vst.idx.msk $0xff, v18  }
0xb3: {  	s23 =	sor.u32 $0x70, s21;
	v46 =	vld [tilespmem:s20+$0x40];
	(xrf1) =	vsort.dscd.msk.f32 $0xffff, v43, v2;
	(erf) = vpow2.f32 v45;
	v18 =	vadd.f32 $1.000000000e+00, v34;
	[tilespmem:v40+s9+$0x0] =	vst.idx.msk $0xff, v9;
	v9 =	vpop (erf)  }
0xb4: {  	s26 =	sor.u32 $0x60, s21;
	s24 =	sadd.s32 $0xFFFFFF80, s21;
	s25 =	sor.u32 $0x50, s21;
	v16 =	vmul.f32 v22, v16;
	v40 =	vadd.s32 s16, v0;
	v34 =	vld [tilespmem:s23+$0x0];
	(xrf1) =	vsort.ascd.msk.f32 $0xffff, v48, v47;
	v30, v31, _ =	vpop (xrf1);
	v45 =	vmul.f32 v9, v15  }
0xb5: {  	s28 =	sor.u32 $0x60, s24;
	v19 =	vmul.f32 v33, v19;
	s23 =	sor.u32 $0x50, s24;
	s24 =	sor.u32 $0x70, s24;
	v43 =	vld [tilespmem:s25+$0x0];
	(xrf1) =	vsort.ascd.msk.f32 $0xffff, v29, v3;
	v15 =	vsel vm0, v31, v38;
	v22 =	vpop (erf);
	(erf) = vrcp.f32 v23  }
0xb6: {  	s16 =	smov.u32 s13;
	s13 =	smov.u32 s11;
	v23 =	vsel vm0, v30, v37;
	v29 =	vld [tilespmem:s26+$0x0];
	(xrf1) =	vsort.ascd.msk.f32 $0xffff, v42, v3;
	v30, v33, _ =	vpop (xrf1);
	v22 =	vadd.f32 $1.000000000e+00, v22;
	[tilespmem:v32+s8+$0x0] =	vst.idx.msk $0xff, v45  }
0xb7: {  	v9 =	vmov v10;
	v37 =	vld [tilespmem:s24+$0x0];
	v38, v42, _ =	vpop (xrf1);
	(xrf1) =	vsort.dscd.msk.f32 $0xffff, v23, v15;
	(erf) = vrcp.f32 v18;
	[tilespmem:v36+s8+$0x0] =	vst.idx.msk $0xff, v19  }
0xb8: {  	v10 =	vmov v14;
	v31 =	vld [tilespmem:s23+$0x0];
	(xrf1) =	vsort.dscd.msk.f32 $0xffff, v25, v2;
	v19 =	vsel vm0, v30, v38;
	v15 =	vpop (erf);
	[tilespmem:v36+s9+$0x0] =	vst.idx.msk $0xff, v13  }
0xb9: {  	v14 =	vld [tilespmem:s28+$0x0];
	(xrf1) =	vsort.ascd.msk.f32 $0xffff, v34, v3;
	v15 =	vnsel vm0, $0x0, v15;
	v13 =	vpop (erf);
	[tilespmem:v32+s9+$0x0] =	vst.idx.msk $0xff, v8;
	v8 =	vmov v12  }
0xba: {  	v25 =	vld [tilespmem:s20+$0xFFFFFF80];
	(xrf1) =	vsort.ascd.msk.f32 $0xffff, v44, v1;
	v30, v32, _ =	vpop (xrf1);
	v34 =	vperm.xlane v15, v4;
	v18 =	vnsel vm0, $0x0, v13;
	[tilespmem:v40+s8+$0x0] =	vst.idx.msk $0xff, v16  }
0xbb: {  	(xrf1) =	vsort.dscd.msk.f32 $0xffff, v28, v0;
	v28, v36, _ =	vpop (xrf1);
	v38 =	vperm.xlane v18, v4;
	[tilespmem:v40+s9+$0x0] =	vst.idx.msk $0xff, v7;
	v7 =	vmov v11  }
0xbc: {  	v40 =	vsel vm0, v26, v20;
	v11 =	vmov v41;
	(xrf1) =	vsort.ascd.msk.f32 $0xffff, v43, v1;
	v43 =	vsel vm0, v27, v21;
	v20 =	vpop (erf)  }
0xbd: {  	v12 =	vmov v39;
	v21, v26, _ =	vpop (xrf1);
	v23 =	vadd.f32 $1.000000000e+00, v20;
	(xrf1) =	vsort.dscd.msk.f32 $0xffff, v43, v40;
	v20 =	vadd.f32 v18, v38  }
0xbe: {  	v13 =	vmov v17;
	v27 =	vsel vm0, v33, v42;
	v38 =	vadd.f32 v15, v34;
	(xrf1) =	vsort.dscd.msk.f32 $0xffff, v46, v0;
	v16 =	vpop (erf)  }
0xbf: {  	v17 =	vsel vm0, v30, v21;
	(xrf1) =	vsort.ascd.msk.f32 $0xffff, v35, v1;
	v21, v30, _ =	vpop (xrf1);
	v33 =	vperm.xlane v20, v5;
	v16 =	vnsel vm0, $0x0, v16  }
0xc0: {  	v26 =	vsel vm0, v32, v26;
	(xrf1) =	vsort.dscd.msk.f32 $0xffff, v29, v2;
	v28 =	vsel vm0, v28, v21;
	v21 =	vpop (erf)  }
0xc1: {  	v29, v32, _ =	vpop (xrf1);
	(xrf1) =	vsort.dscd.msk.f32 $0xffff, v19, v27;
	v19 =	vnsel vm0, $0x0, v21;
	v27 =	vadd.f32 v20, v33;
	v33 =	vperm.xlane v16, v4  }
0xc2: {  	(xrf1) =	vsort.dscd.msk.f32 $0xffff, v25, v0;
	v25 =	vsel vm0, v36, v30;
	v21, v20, _ =	vpop (xrf1);
	v44 =	vperm.xlane v19, v4  }
0xc3: {  	v39 =	vperm.xlane v38, v5;
	v42, v36, _ =	vpop (xrf1);
	v40 =	vperm.xlane v27, v6;
	v41 =	vadd.f32 v16, v33  }
0xc4: {  	v29 =	vsel vm0, v29, v42;
	v34, v30, _ =	vpop (xrf1);
	(xrf1) =	vsort.dscd.msk.f32 $0xffff, v14, v2;
	v42 =	vadd.f32 v19, v44  }
0xc5: {  	v43 =	vsel vm0, v32, v36;
	v32, v14, _ =	vpop (xrf1);
	(xrf1) =	vsort.dscd.msk.f32 $0xffff, v28, v25;
	v25 =	vperm.xlane v41, v5  }
0xc6: {  	v27 =	vadd.f32 v27, v40;
	v36, v35, _ =	vpop (xrf1);
	v45 =	vsub.f32 $0.0e+00, v32;
	v44 =	vperm.xlane v42, v5  }
0xc7: {  	v33, v32, _ =	vpop (xrf1);
	(xrf1) =	vsort.dscd.msk.f32 $0xffff, v17, v26;
	v26 =	vadd.f32 v38, v39;
	v38 =	vadd.f32 v41, v25  }
0xc8: {  	v17, v39, _ =	vpop (xrf1);
	(xrf1) =	vsort.ascd.msk.f32 $0xffff, v29, v43;
	v25 =	vmul.f32 $1.442695020e+00, v45;
	(erf) = vpow2.f32 v24;
	v24 =	vadd.f32 v42, v44  }
0xc9: {  	v46 =	vadd.f32 $9.999999680e-21, v27;
	(xrf1) =	vsort.ascd.msk.f32 $0xffff, v37, v3;
	v28, v37, _ =	vpop (xrf1);
	v40 =	vperm.xlane v26, v6;
	v49 =	vperm.xlane v38, v6  }
0xca: {  	v29 =	vld [tilespmem:s20+$0xFFFFFFC0];
	v28 =	vsel vm0, v28, v17;
	v37 =	vsel vm0, v37, v39;
	v39, v43, _ =	vpop (xrf1);
	v47 =	vperm.xlane v24, v6  }
.Ltmp0:
0xcb: {  	v44, v17, _ =	vpop (xrf1);
	v45 =	vadd.f32 v26, v40;
	v48 =	vadd.f32 v38, v49;
	(erf) = vrcp.f32 v46;
	(pc) =	sbr.rel @p0 .LBB2_2-.Ltmp0, $4  }
0xcc: {  	v27, v38, _ =	vpop (xrf1);
	v24 =	vadd.f32 v24, v47  }
0xcd: {  	v44 =	vsub.f32 $0.0e+00, v44;
	v42, v41, _ =	vpop (xrf1);
	v46 =	vadd.f32 $9.999999680e-21, v48  }
0xce: {  	v39 =	vsel vm0, v27, v39;
	v40 =	vsel vm0, v38, v43;
	(xrf1) =	vsort.dscd.msk.f32 $0xffff, v28, v37;
	v38, v37, _ =	vpop (xrf1);
	v28 =	vadd.f32 $9.999999680e-21, v24  }
0xcf: {  	v43 =	vmul.f32 $1.442695020e+00, v44;
	v24 =	vadd.f32 $9.999999680e-21, v45;
	v27, v26, _ =	vpop (xrf1);
	(erf) = vrcp.f32 v46  }
0xd0: {  	(erf) = vrcp.f32 v28  }
0xd1: {  	(erf) = vpow2.f32 v43;
	_ =	sdelay $0x1  }
0xd2: {  	v62, v44, _ =	vpop (xrf1);
	(xrf1) =	vsort.dscd.msk.f32 $0xffff, v29, v0  }
0xd3: {  	v45 =	vpop (erf)  }
0xd4: {  	v46, v47, _ =	vpop (xrf1);
	(erf) = vrcp.f32 v24  }
0xd5: {  	v63, v24, _ =	vpop (xrf1)  }
0xd6: {  	v45 =	vadd.f32 $1.000000000e+00, v45;
	v48 =	vsub.f32 $0.0e+00, v63;
	v28 =	vpop (erf);
	(erf) = vpow2.f32 v25  }
0xd7: {  	v34 =	vsel vm0, v36, v34;
	v25 =	vpop (erf)  }
0xd8: {  	v30 =	vsel vm0, v35, v30;
	(xrf1) =	vsort.ascd.msk.f32 $0xffff, v31, v1;
	v48 =	vmul.f32 $1.442695020e+00, v48;
	(erf) = vrcp.f32 v45;
	v29 =	vpop (erf)  }
0xd9: {  	v41 =	vsel vm0, v44, v41;
	v45 =	vsel vm0, v62, v42;
	(erf) = vrcp.f32 v22;
	v49 =	vpop (erf)  }
0xda: {  	v32 =	vsel vm0, v37, v32;
	(xrf1) =	vsort.dscd.msk.f32 $0xffff, v45, v41;
	v51, v22, _ =	vpop (xrf1);
	(erf) = vpow2.f32 v48;
	v50 =	vadd.f32 $1.000000000e+00, v49  }
0xdb: {  	(xrf1) =	vsort.dscd.msk.f32 $0xffff, v39, v40;
	v54, v53, _ =	vpop (xrf1);
	(erf) = vrcp.f32 v23  }
0xdc: {  	v52 =	vsel vm0, v38, v33;
	(xrf1) =	vsort.ascd.msk.f32 $0xffff, v34, v30;
	v30, v34, _ =	vpop (xrf1);
	(erf) = vrcp.f32 v50  }
0xdd: {  	v31 =	vpop (erf);
	(xrf1) =	vsort.ascd.msk.f32 $0xffff, v52, v32  }
0xde: {  	v23, v32, _ =	vpop (xrf1)  }
0xdf: {  	v37 =	vpop (erf)  }
0xe0: {  	v30 =	vsel vm0, v46, v30;
	v34 =	vsel vm0, v47, v34;
	v60, v59, _ =	vpop (xrf1)  }
0xe1: {  	(xrf1) =	vsort.ascd.msk.f32 $0xffff, v30, v34;
	v55 =	vsel vm0, v32, v53;
	v23 =	vsel vm0, v23, v54;
	v32 =	vpop (erf)  }
0xe2: {  	v21 =	vsel vm0, v27, v21;
	v20 =	vsel vm0, v26, v20;
	(xrf1) =	vsort.dscd.msk.f32 $0xffff, v23, v55;
	v56 =	vpop (erf)  }
0xe3: {  	(xrf1) =	vsort.dscd.msk.f32 $0xffff, v21, v20;
	v33 =	vpop (erf)  }
0xe4: {  	v30 =	vnsel vm0, $0x0, v56;
	v57 =	vpop (erf)  }
0xe5: {  	v23 =	vperm.xlane v30, v4;
	v21 =	vnsel vm0, $0x0, v57;
	v58 =	vpop (erf)  }
0xe6: {  	v63, v62, _ =	vpop (xrf1);
	v61 =	vperm.xlane v21, v4;
	v26 =	vnsel vm0, $0x0, v58  }
0xe7: {  	v27 =	vsel vm0, v60, v63;
	v23 =	vadd.f32 v30, v23;
	v48 =	vperm.xlane v26, v4  }
0xe8: {  	v34 =	vsel vm0, v59, v62;
	v32 =	vnsel vm0, $0x0, v32;
	v40, v41, _ =	vpop (xrf1);
	v20 =	vadd.f32 v21, v61  }
0xe9: {  	v58 =	vperm.xlane v32, v4;
	v42, v43, _ =	vpop (xrf1);
	v49 =	vperm.xlane v23, v5;
	v39 =	vadd.f32 v26, v48  }
0xea: {  	v35 =	vsub.f32 $0.0e+00, v51;
	v36, v45, _ =	vpop (xrf1);
	(xrf1) =	vsort.dscd.msk.f32 $0xffff, v27, v34;
	v50 =	vperm.xlane v20, v5  }
0xeb: {  	v61 =	vadd.f32 v32, v58;
	v51, v52, _ =	vpop (xrf1);
	v23 =	vadd.f32 v23, v49;
	v53 =	vperm.xlane v39, v5  }
0xec: {  	v54 =	vsel vm0, v42, v51;
	v55 =	vsel vm0, v43, v52;
	v38 =	vadd.f32 v20, v50  }
0xed: {  	v35 =	vmul.f32 $1.442695020e+00, v35;
	v56 =	vperm.xlane v23, v6;
	(xrf1) =	vsort.dscd.msk.f32 $0xffff, v54, v55;
	v57 =	vadd.f32 v39, v53  }
0xee: {  	v44 =	vperm.xlane v61, v5;
	v59 =	vperm.xlane v38, v6  }
0xef: {  	v42, v43, _ =	vpop (xrf1);
	v23 =	vadd.f32 v23, v56;
	v60 =	vperm.xlane v57, v6  }
0xf0: {  	(erf) = vpow2.f32 v35;
	v62, v20, _ =	vpop (xrf1);
	v49 =	vadd.f32 v61, v44;
	v38 =	vadd.f32 v38, v59  }
0xf1: {  	v63, v27, _ =	vpop (xrf1);
	v23 =	vadd.f32 $9.999999680e-21, v23;
	v34 =	vadd.f32 v57, v60  }
0xf2: {  	v35 =	vsub.f32 $0.0e+00, v63;
	v38 =	vadd.f32 $9.999999680e-21, v38  }
0xf3: {  	v50 =	vperm.xlane v49, v6;
	(erf) = vrcp.f32 v23;
	v48 =	vadd.f32 $9.999999680e-21, v34  }
0xf4: {  	v35 =	vmul.f32 $1.442695020e+00, v35;
	(erf) = vrcp.f32 v38  }
0xf5: {  	(erf) = vrcp.f32 v48  }
0xf6: {  	v23 =	vadd.f32 v49, v50;
	(erf) = vpow2.f32 v35  }
0xf7: {  	v51 =	vsub.f32 $0.0e+00, v62  }
0xf8: {  	v54 =	vadd.f32 $9.999999680e-21, v23  }
0xf9: {  	v55 =	vpop (erf);
	v34 =	vmul.f32 $1.442695020e+00, v51  }
0xfa: {  	v44 =	vadd.f32 $1.000000000e+00, v55;
	v53, v52, _ =	vpop (xrf1);
	(erf) = vrcp.f32 v54  }
0xfb: {  	v37 =	vadd.f32 $1.000000000e+00, v37;
	(erf) = vpow2.f32 v34;
	v56, v23, _ =	vpop (xrf1)  }
0xfc: {  	(erf) = vrcp.f32 v44;
	v57 =	vsub.f32 $0.0e+00, v56;
	v46 =	vpop (erf)  }
0xfd: {  	(erf) = vrcp.f32 v37;
	v34 =	vpop (erf)  }
0xfe: {  	v58 =	vmul.f32 $1.442695020e+00, v57;
	v39 =	vpop (erf)  }
0xff: {  	v33 =	vadd.f32 $1.000000000e+00, v33;
	v59 =	vpop (erf)  }
0x100: {  	(erf) = vpow2.f32 v58;
	v37 =	vadd.f32 $1.000000000e+00, v59  }
0x101: {  	(erf) = vrcp.f32 v33  }
0x102: {  	(erf) = vrcp.f32 v37  }
0x103: {  	v60 =	vsel vm0, v40, v36;
	v40 =	vpop (erf)  }
0x104: {  	v61 =	vsel vm0, v41, v45;
	v41 =	vpop (erf)  }
0x105: {  	(xrf1) =	vsort.dscd.msk.f32 $0xffff, v60, v61;
	v62 =	vpop (erf)  }
0x106: {  	v63 =	vpop (erf)  }
0x107: {  	v38 =	vnsel vm0, $0x0, v63  }
0x108: {  	v35 =	vsel vm0, v53, v42;
	v45 =	vsel vm0, v52, v43;
	v48 =	vperm.xlane v38, v4  }
0x109: {  	(xrf1) =	vsort.dscd.msk.f32 $0xffff, v35, v45;
	v42 =	vpop (erf)  }
0x10a: {  	v43 =	vadd.f32 v38, v48;
	v47 =	vpop (erf)  }
0x10b: {  	v35 =	vnsel vm0, $0x0, v47;
	v49 =	vpop (erf)  }
0x10c: {  	v52 =	vperm.xlane v43, v5;
	v50 =	vperm.xlane v35, v4;
	v37 =	vnsel vm0, $0x0, v49  }
0x10d: {  	v51 =	vperm.xlane v37, v4  }
0x10e: {  	v43 =	vadd.f32 v43, v52;
	v33 =	vadd.f32 v35, v50  }
0x10f: {  	v44 =	vadd.f32 v37, v51  }
0x110: {  	v56 =	vperm.xlane v43, v6;
	v53 =	vperm.xlane v33, v5  }
0x111: {  	v54 =	vperm.xlane v44, v5  }
0x112: {  	v49 =	vnsel vm0, $0x0, v62;
	v36 =	vadd.f32 v43, v56;
	v47 =	vadd.f32 v33, v53  }
0x113: {  	v58 =	vperm.xlane v49, v4;
	v55, v33, _ =	vpop (xrf1);
	v44 =	vadd.f32 v44, v54  }
0x114: {  	v57 =	vsub.f32 $0.0e+00, v55;
	v50 =	vperm.xlane v47, v6  }
0x115: {  	v48 =	vadd.f32 v49, v58;
	v59 =	vperm.xlane v44, v6  }
0x116: {  	v45 =	vmul.f32 $1.442695020e+00, v57;
	v47 =	vadd.f32 v47, v50  }
0x117: {  	v60 =	vadd.f32 $9.999999680e-21, v36;
	v63 =	vperm.xlane v48, v5;
	v51, v36, _ =	vpop (xrf1);
	v43 =	vadd.f32 v44, v59  }
0x118: {  	v61 =	vsub.f32 $0.0e+00, v51;
	(erf) = vpow2.f32 v45;
	v62 =	vadd.f32 $9.999999680e-21, v47  }
0x119: {  	(erf) = vrcp.f32 v60;
	v43 =	vadd.f32 $9.999999680e-21, v43  }
0x11a: {  	v48 =	vadd.f32 v48, v63;
	v44 =	vmul.f32 $1.442695020e+00, v61;
	(erf) = vrcp.f32 v62  }
0x11b: {  	(erf) = vrcp.f32 v43  }
0x11c: {  	v50 =	vperm.xlane v48, v6;
	(erf) = vpow2.f32 v44;
	_ =	sdelay $0x1  }
0x11d: {  	v43 =	vadd.f32 v48, v50;
	_ =	sdelay $0x1  }
0x11e: {  	v43 =	vadd.f32 $9.999999680e-21, v43  }
0x11f: {  	v51 =	vpop (erf)  }
0x120: {  	v45 =	vpop (erf)  }
0x121: {  	v44 =	vadd.f32 $1.000000000e+00, v51;
	v47 =	vpop (erf)  }
0x122: {  	v41 =	vadd.f32 $1.000000000e+00, v41;
	(erf) = vrcp.f32 v43;
	v43 =	vpop (erf)  }
0x123: {  	v42 =	vadd.f32 $1.000000000e+00, v42;
	(erf) = vrcp.f32 v44;
	v52 =	vpop (erf)  }
0x124: {  	(erf) = vrcp.f32 v41;
	v53 =	vadd.f32 $1.000000000e+00, v52  }
0x125: {  	(erf) = vrcp.f32 v42  }
0x126: {  	(erf) = vrcp.f32 v53;
	_ =	sdelay $0x2  }
0x127: {  	v58 =	vor.u32 s17, v0;
	_ =	sdelay $0x1  }
0x128: {  	v54 =	vor.u32 s18, v0;
	v42 =	vpop (erf)  }
0x129: {  	v63 =	vmul.f32 v31, v15;
	v56 =	vpop (erf)  }
0x12a: {  	v18 =	vmul.f32 v28, v18;
	v16 =	vmul.f32 v25, v16;
	v55 =	vadd.s32 s19, v0;
	v57 =	vpop (erf)  }
0x12b: {  	v30 =	vmul.f32 v46, v30;
	[tilespmem:v58+s8+$0x0] =	vst.idx.msk $0xff, v63;
	v60 =	vmul.f32 v29, v19;
	v28 =	vnsel vm0, $0x0, v57;
	v59 =	vpop (erf)  }
0x12c: {  	[tilespmem:v58+s9+$0x0] =	vst.idx.msk $0xff, v8;
	v53 =	vadd.s32 s16, v0;
	v61 =	vperm.xlane v28, v4;
	v29 =	vnsel vm0, $0x0, v59;
	v62 =	vpop (erf)  }
0x12d: {  	v8 =	vor.u32 s15, v0;
	[tilespmem:v54+s8+$0x0] =	vst.idx.msk $0xff, v18;
	v51 =	vperm.xlane v29, v4;
	v15 =	vnsel vm0, $0x0, v62  }
0x12e: {  	[tilespmem:v54+s9+$0x0] =	vst.idx.msk $0xff, v9;
	v18 =	vnsel vm0, $0x0, v56;
	v19 =	vadd.f32 v28, v61;
	v52 =	vperm.xlane v15, v4  }
0x12f: {  	[tilespmem:v55+s8+$0x0] =	vst.idx.msk $0xff, v60;
	v54 =	vperm.xlane v18, v4;
	v31 =	vadd.f32 v29, v51  }
0x130: {  	[tilespmem:v55+s9+$0x0] =	vst.idx.msk $0xff, v13;
	v55 =	vperm.xlane v19, v5;
	v41 =	vadd.f32 v15, v52  }
0x131: {  	[tilespmem:v53+s8+$0x0] =	vst.idx.msk $0xff, v16;
	v56 =	vadd.f32 v18, v54;
	v57 =	vperm.xlane v31, v5  }
0x132: {  	[tilespmem:v53+s9+$0x0] =	vst.idx.msk $0xff, v7;
	v7 =	vadd.s32 s12, v0;
	v19 =	vadd.f32 v19, v55;
	v58 =	vperm.xlane v41, v5  }
0x133: {  	[tilespmem:v8+s8+$0x0] =	vst.idx.msk $0xff, v30;
	v59 =	vperm.xlane v56, v5;
	v31 =	vadd.f32 v31, v57  }
0x134: {  	v60 =	vor.u32 s14, v0;
	[tilespmem:v8+s9+$0x0] =	vst.idx.msk $0xff, v10;
	v61 =	vperm.xlane v19, v6;
	v25 =	vadd.f32 v41, v58  }
0x135: {  	s11 =	sadd.s32 $0x20, s11;
	v8 =	vmul.f32 v39, v26;
	v9 =	vadd.f32 v56, v59;
	v62 =	vperm.xlane v31, v6  }
0x136: {  	s24 =	sadd.s32 $0xFFFFFFF8, s11;
	v32 =	vmul.f32 v40, v32;
	v19 =	vadd.f32 v19, v61;
	v63 =	vperm.xlane v25, v6  }
0x137: {  	[tilespmem:v7+s8+$0x0] =	vst.idx.msk $0xff, v8;
	v8 =	vor.u32 s24, v0;
	v44 =	vperm.xlane v9, v6;
	v13 =	vadd.f32 v31, v62  }
0x138: {  	s26 =	sadd.s32 $0xFFFFFFF0, s11;
	v46 =	vadd.f32 $9.999999680e-21, v19;
	v48 =	vadd.f32 v25, v63  }
0x139: {  	[tilespmem:v60+s8+$0x0] =	vst.idx.msk $0xff, v32;
	v54 =	vadd.s32 s26, v0;
	v9 =	vadd.f32 v9, v44;
	v13 =	vadd.f32 $9.999999680e-21, v13  }
0x13a: {  	[tilespmem:v60+s9+$0x0] =	vst.idx.msk $0xff, v12;
	v53 =	vmul.f32 v45, v38;
	(erf) = vrcp.f32 v46;
	v50 =	vadd.f32 $9.999999680e-21, v48  }
0x13b: {  	s25 =	sadd.s32 $0xFFFFFFE8, s11;
	[tilespmem:v7+s9+$0x0] =	vst.idx.msk $0xff, v17;
	v41 =	vadd.s32 s13, v0;
	v7 =	vadd.f32 $9.999999680e-21, v9;
	(erf) = vrcp.f32 v13  }
0x13c: {  	v55 =	vmul.f32 v43, v37;
	v52 =	vor.u32 s25, v0;
	[tilespmem:v8+s8+$0x0] =	vst.idx.msk $0xff, v53;
	(erf) = vrcp.f32 v50  }
0x13d: {  	[tilespmem:v8+s9+$0x0] =	vst.idx.msk $0xff, v14;
	v8 =	vadd.s32 s11, v0;
	(erf) = vrcp.f32 v7  }
0x13e: {  	v51 =	vmul.f32 v34, v21;
	[tilespmem:v54+s8+$0x0] =	vst.idx.msk $0xff, v55  }
0x13f: {  	s28 =	sadd.s32 $0x20, s11;
	[tilespmem:v54+s9+$0x0] =	vst.idx.msk $0xff, v27;
	v7 =	vmul.f32 v42, v49  }
0x140: {  	s29 =	sadd.s32 $0xFFFFFFF8, s28;
	v56 =	vmul.f32 v47, v35;
	[tilespmem:v41+s8+$0x0] =	vst.idx.msk $0xff, v51  }
0x141: {  	[tilespmem:v52+s8+$0x0] =	vst.idx.msk $0xff, v7;
	v7 =	vor.u32 s29, v0  }
0x142: {  	s31 =	sadd.s32 $0xFFFFFFF0, s28;
	[tilespmem:v8+s8+$0x0] =	vst.idx.msk $0xff, v56  }
0x143: {  	s30 =	sadd.s32 $0xFFFFFFE8, s28;
	v62 =	vadd.s32 s31, v0;
	[tilespmem:v41+s9+$0x0] =	vst.idx.msk $0xff, v11;
	v57 =	vpop (erf)  }
0x144: {  	v59 =	vor.u32 s30, v0;
	[tilespmem:v8+s9+$0x0] =	vst.idx.msk $0xff, v24;
	v58 =	vpop (erf);
	v60 =	vmul.f32 v57, v28  }
0x145: {  	[tilespmem:v52+s9+$0x0] =	vst.idx.msk $0xff, v22;
	v61 =	vpop (erf)  }
0x146: {  	[tilespmem:v7+s8+$0x0] =	vst.idx.msk $0xff, v60;
	v8 =	vpop (erf);
	v63 =	vmul.f32 v61, v15  }
0x147: {  	[tilespmem:v7+s9+$0x0] =	vst.idx.msk $0xff, v20;
	v7 =	vadd.s32 s28, v0;
	v8 =	vmul.f32 v8, v18  }
0x148: {  	[tilespmem:v62+s8+$0x0] =	vst.idx.msk $0xff, v63  }
0x149: {  	[tilespmem:v59+s8+$0x0] =	vst.idx.msk $0xff, v8  }
0x14a: {  	v8 =	vmul.f32 v58, v29;
	[tilespmem:v62+s9+$0x0] =	vst.idx.msk $0xff, v36  }
0x14b: {  	[tilespmem:v59+s9+$0x0] =	vst.idx.msk $0xff, v33  }
0x14c: {  	[tilespmem:v7+s8+$0x0] =	vst.idx.msk $0xff, v8  }
0x14d: {  	[tilespmem:v7+s9+$0x0] =	vst.idx.msk $0xff, v23  }
0x14e: {  	[hbm4b:s4+s2] =	stream.linear.scatter [tilespmem:s8], [sflag:$0x1], $0x800, $0x38;
	[tilespmem:$0x5000] =	vst v63  }
0x14f: {  	s10 =	sadd.s32 $0x1, s10;
	_ =	swait.ge [sflag:s7], $0x800  }
0x150: {  	p0 =	sne.s32 s10, s6;
	[sflag:s7] =	ssyncset.done $0x0  }
.Ltmp1:
0x151: {  	[sflag:s7] =	ssyncadd.s32 $0xFFFFF800;
	(pc) =	sbr.rel @p0 .LBB2_1-.Ltmp1, $4  }
0x152: {  	[hbm4b:s5+s2] =	stream.linear.scatter [tilespmem:s9], [sflag:$0x1], $0x800, $0x38;
	[tilespmem:$0x5000] =	vst v63  }
0x153: {  	_ =	swait.ge [sflag:s7], $0x800  }
0x154: {  	[sflag:s7] =	ssyncset.done $0x0  }
0x155: {  	[sflag:s7] =	ssyncadd.s32 $0xFFFFF800  }
0x156: {  	_ =	sfence.sel $0x180000  }
0x157: {  	[bflag:$0x0] =	sbarrier.arrive $0xFFFF  }
0x158: {  	p0 =	sne.s32 s1, $0x0;
	_ =	strace $0x90000047  }
0x159: {  	s0 =	sadd.s32 @!p0 $0x100000, s0;
	[bflag:$0x2] =	sbarrier.arrive $0xFFFF  }
0x15a: {  	[sflag:s0] =	ssyncadd.tile.s32 @!p0 $0x1;
	_ =	shalt  }
.Lfunc_end2:
_tile_overlayer_lowered:
.L_overlay_start_2:
0x15b: {  	(tag) =	ssettag $0x2  }
0x15c: {  	s0 =	rddreg [dreg:$0x0];
	s2 =	stileid.u32  }
0x15d: {  	s1 =	rddreg [dreg:$0x1];
	p0 =	sne.s32 s2, $0x0  }
0x15e: {  	s3 =	rddreg [dreg:$0x2];
	[bflag:$0x3] =	sbarrier.arrive $0xFFFF;
	s2 =	simm.s32 @!p0 $0x1C01  }
0x15f: {  	[timem:s3], [sflag:s2] =	dma.local @!p0 [hbm:s0], s1  }
0x160: {  	s0 =	simm.s32 @!p0 $0x1  }
0x161: {  	_ =	swait.ge @!p0 [sflag:s0], s1  }
0x162: {  	s1 =	ssub.s32 @!p0 $0x0, s1;
	[sflag:s0] =	ssyncset.done @!p0 $0x0  }
0x163: {  	[sflag:s0] =	ssyncadd.s32 @!p0 s1  }
0x164: {  	[bflag:$0x3] =	sbarrier.arrive $0xFFFF  }
0x165: {  	_ =	shalt  }

// kernel: kernel.9.cloned.1.call-start
scs
__scs_entry_jumppad:
0x0: {  	(pc) =	sbr.rel $0x88, $3  }
0x1: {  	(tag) =	ssettag $0x0;
	lr =	simm.s32 $0x1  }
0x2: {  	[smem:$0x3F9F] =	sst lr;
	_ =	strace $0xD0000000  }
0x3: {  	_ = 	snop  }
0x4: {  	_ = 	snop  }
0x5: {  	_ = 	snop  }
0x6: {  	_ = 	snop  }
0x7: {  	_ = 	snop  }
__scs_overlays_trampoline_lowered:
0x8: {  	[smem:$0x3FAE] =	sst s0  }
0x9: {  	[smem:$0x3FAF] =	sst s1  }
0xa: {  	[smem:$0x3FB0] =	sst s2  }
0xb: {  	[smem:$0x3FB1] =	sst s3  }
0xc: {  	[smem:$0x3FB2] =	sst s4  }
0xd: {  	[smem:$0x3FB3] =	sst s5  }
0xe: {  	[smem:$0x3FB4] =	sst s6  }
0xf: {  	[smem:$0x3FB5] =	sst s7  }
0x10: {  	[smem:$0x3FB6] =	sst s8  }
0x11: {  	[smem:$0x3FB7] =	sst s9;
	s0 =	simm.s32 @!p0 $0x0  }
0x12: {  	s1 =	sld [smem:$0x3F9D];
	s0 =	simm.s32 @p0 $0x1  }
0x13: {  	[smem:$0x3FB8] =	sst s0;
	s0 =	simm.s32 @!p1 $0x0  }
0x14: {  	s2 =	sld [smem:$0x3F9C];
	s0 =	simm.s32 @p1 $0x1  }
0x15: {  	[smem:$0x3FB9] =	sst s0;
	s0 =	simm.s32 @!p2 $0x0  }
0x16: {  	s3 =	sld [smem:$0x3FDB];
	s0 =	simm.s32 @p2 $0x1  }
0x17: {  	s4 =	simm.s32 $0x1BF5;
	[smem:$0x3FBB] =	sst s0  }
0x18: {  	s0 =	sld [smem:$0x3F9E];
	_ =	swait.ge [sflag:s4], $0x0  }
0x19: {  	s7 =	sld [smem:$0x3F9F]  }
0x1a: {  	s8 =	sadd.s32 $0xFFFFE003, lr  }
0x1b: {  	s9 =	sadd.s32 $0xFFFFFEF7, lr;
	s5 =	simm.s32 $0xFFFFFFFF;
	p2 =	slt.u32 s8, $0xFFFFF086  }
0x1c: {  	p1 =	slt.u32 s9, $0xF7A;
	s5 =	simm.s32 @!p2 $0x0  }
0x1d: {  	s5 =	simm.s32 @p1 $0x1;
	p0 =	seq.s32 s7, s2  }
0x1e: {  	s7 =	smul.u32 @!p0 $0xF7A, s2;
	p2 =	seq.s32 @!p0 s5, $0x0  }
0x1f: {  	s9 =	smul.u32 $0xF7A, s1;
	s8 =	simm.s32 @!p0 $0x1BF5;
	p2 =	por !p2, p0  }
0x20: {  	[sflag:s8] =	ssyncset.s32 @!p0 $0xFFFFF086;
	s6 =	sadd.s32 @!p0 s3, s7;
	s7 =	simm.s32 @!p0 $0x108  }
0x21: {  	s3 =	sadd.s32 s3, s9;
	s6 =	sadd.s32 @!p0 $0x88, s6;
	s7 =	simm.s32 @p2 $0x1082  }
0x22: {  	[simem:s7], [sflag:s8] =	dma.local @!p0 [hbm:s6], $0xF7A  }
0x23: {  	s9 =	sor.u32 $0xD0000000, s2;
	s6 =	simm.s32 $0x108;
	_ =	swait.ge @!p0 [sflag:s8], $0x0  }
0x24: {  	s3 =	sadd.s32 $0x88, s3;
	s6 =	simm.s32 @!p1 $0x1082;
	[sflag:s4] =	ssyncset.s32 $0xFFFFF086  }
0x25: {  	[simem:s6], [sflag:s4] =	dma.local [hbm:s3], $0xF7A  }
0x26: {  	[smem:$0x3F9F] =	sst s1;
	(tag) =	ssettag s2;
	_ =	strace s9  }
0x27: {  	s1 =	sld [smem:$0x3FAF]  }
0x28: {  	s2 =	sld [smem:$0x3FB0]  }
0x29: {  	s4 =	sld [smem:$0x3FB2]  }
0x2a: {  	p0 =	seq.s32 s5, $0x0;
	s5 =	sld [smem:$0x3FB3]  }
0x2b: {  	s6 =	sld [smem:$0x3FB4]  }
0x2c: {  	s7 =	sld [smem:$0x3FB5]  }
0x2d: {  	s3 =	simm.s32 $0x108;
	s8 =	sld [smem:$0x3FB6]  }
0x2e: {  	s3 =	simm.s32 @!p0 $0x1082;
	s9 =	sld [smem:$0x3FB7]  }
0x2f: {  	lr =	sadd.s32 s0, s3;
	s0 =	sld [smem:$0x3FAE]  }
0x30: {  	s3 =	sld [smem:$0x3FB1]  }
0x31: {  	[smem:$0x3FBA] =	sst s10  }
0x32: {  	s10 =	sld [smem:$0x3FB8];
	_ =	sdelay $0x3  }
0x33: {  	p0 =	seq.s32 s10, $0x1;
	s10 =	sld [smem:$0x3FBA];
	_ =	sdelay $0x3  }
0x34: {  	[smem:$0x3FBA] =	sst s10  }
0x35: {  	s10 =	sld [smem:$0x3FB9];
	_ =	sdelay $0x3  }
0x36: {  	p1 =	seq.s32 s10, $0x1;
	s10 =	sld [smem:$0x3FBA];
	_ =	sdelay $0x3  }
0x37: {  	[smem:$0x3FBA] =	sst s10  }
0x38: {  	s10 =	sld [smem:$0x3FBB]  }
0x39: {  	_ = 	snop;
	(pc) =	sbr.ind lr, $3  }
0x3a: {  	_ = 	snop  }
0x3b: {  	_ = 	snop  }
0x3c: {  	p2 =	seq.s32 s10, $0x1;
	s10 =	sld [smem:$0x3FBA]  }
0x3d: {  	_ =	shalt  }
0x3e: {  	_ =	shalt  }
0x3f: {  	_ =	shalt  }
0x40: {  	_ =	shalt  }
0x41: {  	_ =	shalt  }
0x42: {  	_ =	shalt  }
0x43: {  	_ =	shalt  }
0x44: {  	_ =	shalt  }
0x45: {  	_ =	shalt  }
0x46: {  	_ =	shalt  }
0x47: {  	_ =	shalt  }
0x48: {  	_ =	shalt  }
0x49: {  	_ =	shalt  }
0x4a: {  	_ =	shalt  }
0x4b: {  	_ =	shalt  }
0x4c: {  	_ =	shalt  }
0x4d: {  	_ =	shalt  }
0x4e: {  	_ =	shalt  }
0x4f: {  	_ =	shalt  }
0x50: {  	_ =	shalt  }
0x51: {  	_ =	shalt  }
0x52: {  	_ =	shalt  }
0x53: {  	_ =	shalt  }
0x54: {  	_ =	shalt  }
0x55: {  	_ =	shalt  }
0x56: {  	_ =	shalt  }
0x57: {  	_ =	shalt  }
0x58: {  	_ =	shalt  }
0x59: {  	_ =	shalt  }
0x5a: {  	_ =	shalt  }
0x5b: {  	_ =	shalt  }
0x5c: {  	_ =	shalt  }
0x5d: {  	_ =	shalt  }
0x5e: {  	_ =	shalt  }
0x5f: {  	_ =	shalt  }
0x60: {  	_ =	shalt  }
0x61: {  	_ =	shalt  }
0x62: {  	_ =	shalt  }
0x63: {  	_ =	shalt  }
0x64: {  	_ =	shalt  }
0x65: {  	_ =	shalt  }
0x66: {  	_ =	shalt  }
0x67: {  	_ =	shalt  }
0x68: {  	_ =	shalt  }
0x69: {  	_ =	shalt  }
0x6a: {  	_ =	shalt  }
0x6b: {  	_ =	shalt  }
0x6c: {  	_ =	shalt  }
0x6d: {  	_ =	shalt  }
0x6e: {  	_ =	shalt  }
0x6f: {  	_ =	shalt  }
0x70: {  	_ =	shalt  }
0x71: {  	_ =	shalt  }
0x72: {  	_ =	shalt  }
0x73: {  	_ =	shalt  }
0x74: {  	_ =	shalt  }
0x75: {  	_ =	shalt  }
0x76: {  	_ =	shalt  }
0x77: {  	_ =	shalt  }
0x78: {  	_ =	shalt  }
0x79: {  	_ =	shalt  }
0x7a: {  	_ =	shalt  }
0x7b: {  	_ =	shalt  }
0x7c: {  	_ =	shalt  }
0x7d: {  	_ =	shalt  }
0x7e: {  	_ =	shalt  }
0x7f: {  	_ =	shalt  }
0x80: {  	_ =	shalt  }
0x81: {  	_ =	shalt  }
0x82: {  	_ =	shalt  }
0x83: {  	_ =	shalt  }
0x84: {  	_ =	shalt  }
0x85: {  	_ =	shalt  }
0x86: {  	_ =	shalt  }
0x87: {  	_ =	shalt  }
.Lfunc_end0:
.L_simem_size_0:
called_computation.1_lowered:
.L_overlay_start_0:
0x88: {  	s2 =	sld [smem:$0x3FD9]  }
0x89: {  	s3 =	sld [smem:$0x3FFE];
	_ =	sdelay $0x1  }
0x8a: {  	s1 =	srdreg.scid  }
0x8b: {  	s0 =	sand.u32 $0x1, s1  }
0x8c: {  	s15 =	sshll.u32 s0, $0xA;
	s2 =	sadd.s32 s3, s2  }
0x8d: {  	s2 =	sadd.s32 s2, s15  }
0x8e: {  	[smem:$0x3FC6] =	sst s2  }
0x8f: {  	_ = 	snop  }
0x90: {  	s2 =	sld [smem:$0x3FD0];
	_ =	sdelay $0x2  }
0x91: {  	s4 =	simm.s32 $0xB;
	s16 =	simm.s32 $0x10  }
0x92: {  	[smem:s16], [sflag:s4] =	dma.local [hbm:s2], $0x1  }
0x93: {  	_ =	swait.eq [sflag:s4], $0x1  }
0x94: {  	[sflag:s4] =	ssyncset.done $0x0  }
0x95: {  	s17 =	sld [smem:$0x11];
	[sflag:s4] =	ssyncadd.s32 $0xFFFFFFFF  }
0x96: {  	s18 =	sld [smem:$0x12];
	(tm) =	ssettm $0x1  }
0x97: {  	s19 =	sld [smem:$0x3FFB];
	_ =	sdelay $0x3  }
0x98: {  	_ =	strace s19  }
0x99: {  	s2 =	sld [smem:$0x3FFC];
	_ =	sdelay $0x3  }
0x9a: {  	_ =	strace s2  }
0x9b: {  	s2 =	sld [smem:$0x3FFD];
	_ =	sdelay $0x3  }
0x9c: {  	_ =	strace s2  }
0x9d: {  	_ =	strace $0x8FFFFFFF  }
0x9e: {  	s20 =	sld [smem:$0x3FDB];
	_ =	sdelay $0x1  }
0x9f: {  	s5 =	simm.s32 $_scs_section_size  }
0xa0: {  	s6 =	simm.s32 $_size__tile_overlayer_lowered;
	s7 =	simm.s32 $_tile_overlayer_lowered  }
0xa1: {  	s8 =	simm.s32 $0x1BFF;
	s21 =	sshll.u32 s7, $0x1;
	s5 =	sadd.s32 s5, s20  }
0xa2: {  	s22 =	simm.s32 $0x0;
	s6 =	sshll.u32 s6, $0x1;
	s7 =	sadd.s32 s21, s5  }
0xa3: {  	[timem:s22], [sflag:s8] =	dma.local [hbm:s7], s6  }
0xa4: {  	_ =	swait.ge [sflag:s8], s6  }
0xa5: {  	s6 =	ssub.s32 $0x0, s6;
	[sflag:s8] =	ssyncset.done $0x0  }
0xa6: {  	[sflag:s8] =	ssyncadd.s32 s6;
	_ =	sdelay $0x1  }
0xa7: {  	s23 =	simm.s32 $0x1B8B  }
0xa8: {  	_ =	swait.ge [sflag:s23], $0x1  }
0xa9: {  	[sflag:s23] =	ssyncset.done $0x0  }
0xaa: {  	[sflag:s23] =	ssyncadd.s32 $0xFFFFFFFF  }
0xab: {  	s6 =	sld [smem:$0x0]  }
0xac: {  	s7 =	sand.u32 $0xFFFFFFFE, s1  }
0xad: {  	p0 =	sne.s32 s1, s7  }
0xae: {  	s7 =	sshll.u32 @p0 s7, $0xE  }
0xaf: {  	s7 =	sadd.s32 @p0 $0x11B8D, s7;
	s8 =	sshll.u32 @p0 s6, $0x11  }
0xb0: {  	s7 =	sor.u32 @p0 s8, s7  }
0xb1: {  	[sflag:s7] =	ssyncadd.remote.s32 @p0 $0x1;
	_ =	sdelay $0x1  }
0xb2: {  	s7 =	simm.s32 @p0 $0x1B8D  }
0xb3: {  	_ =	swait.eq @p0 [sflag:s7], $0x1  }
0xb4: {  	[sflag:s7] =	ssyncadd.s32 @p0 $0xFFFFFFFF  }
0xb5: {  	s8 =	sshll.u32 @!p0 s1, $0xE  }
0xb6: {  	s8 =	sor.u32 @!p0 $0x4000, s8;
	s7 =	simm.s32 @!p0 $0x1B8D  }
0xb7: {  	s6 =	sshll.u32 @!p0 s6, $0x11;
	s8 =	sadd.s32 @!p0 $0x11B8D, s8;
	_ =	swait.eq @!p0 [sflag:s7], $0x1  }
0xb8: {  	s6 =	sor.u32 @!p0 s6, s8;
	[sflag:s7] =	ssyncadd.s32 @!p0 $0xFFFFFFFF  }
0xb9: {  	s25 =	simm.s32 $0x1B8E;
	s24 =	sld [smem:$0x3FFE];
	[sflag:s6] =	ssyncadd.remote.s32 @!p0 $0x1  }
0xba: {  	s26 =	simm.s32 $execute0_lowered;
	[smem:$0x3FD2] =	sst s25  }
0xbb: {  	s7 =	sshll.u32 s26, $0x1;
	_ =	strace $0x80000049;
	[dreg:$0x1] =	wrdreg $0xFFFFFFFF  }
0xbc: {  	s28 =	simm.s32 $_size_execute0_lowered;
	s5 =	sadd.s32 s5, s7;
	[dreg:$0x0] =	wrdreg $0x0  }
0xbd: {  	s7 =	sshll.u32 s28, $0x1;
	[dreg:$0x2] =	wrdreg s5  }
0xbe: {  	[dreg:$0x3] =	wrdreg s7  }
0xbf: {  	[dreg:$0x4] =	wrdreg $0xC0  }
0xc0: {  	_ =	task [dreg:s22], $0x5FFFF  }
0xc1: {  	[dreg:$0x1] =	wrdreg $0xFFFFFFFF  }
0xc2: {  	[dreg:$0x0] =	wrdreg $0x60  }
0xc3: {  	[dreg:$0x2] =	wrdreg s24  }
0xc4: {  	[dreg:$0x3] =	wrdreg s18  }
0xc5: {  	[dreg:$0x4] =	wrdreg s17  }
0xc6: {  	[dreg:$0x5] =	wrdreg $0xA  }
0xc7: {  	_ =	task.clear_ibuf [dreg:s22], $0x6FFFF;
	_ =	strace $0x90000049  }
0xc8: {  	s29 =	simm.s32 $0xA;
	_ =	strace $0x8000004B  }
0xc9: {  	_ =	swait.ge [sflag:s29], $0x1  }
0xca: {  	[sflag:s29] =	ssyncadd.s32 $0xFFFFFFFF  }
0xcb: {  	_ =	strace $0x9000004B  }
0xcc: {  	_ =	sfence  }
0xcd: {  	s30 =	sld [smem:$0x0];
	_ =	sdelay $0x2  }
0xce: {  	s31 =	sshll.u32 s1, $0xD;
	s1 =	sshrl.u32 s1, $0x2  }
0xcf: {  	s4 =	sand.u32 $0x4000, s31;
	s1 =	sadd.s32 s1, s30  }
0xd0: {  	s0 =	sor.u32 s4, s0;
	s1 =	sshll.u32 s1, $0x11  }
0xd1: {  	s0 =	sor.u32 s1, s0  }
0xd2: {  	s0 =	sadd.s32 $0x8F2B, s0  }
0xd3: {  	[sflag:s0] =	ssyncadd.remote.s32 $0x1  }
0xd4: {  	_ =	sfence.sel $0xFFFF  }
0xd5: {  	[dreg:$0x0] =	wrdreg $0xFFFFFFFF;
	(pc) =	sbr.abs _section_cstart, $3  }
0xd6: {  	[dreg:$0x1] =	wrdreg $0xFFFFFFFF  }
0xd7: {  	_ =	task.clear_ibuf [dreg:s22], $0x2FFFF;
	_ =	strace $0x9FFFFFFF  }
0xd8: {  	(tm) =	ssettm $0x7FFFFFFF  }
0xd9: {  	_ =	shalt  }
tec
execute0_lowered:
.L_overlay_start_1:
0x0: {  	(tag) =	ssettag $0x1  }
0x1: {  	s3 =	rddreg [dreg:$0x0]  }
0x2: {  	s4 =	rddreg [dreg:$0x1];
	v0 =	vimm.s32 $0xEFCDAB89;
	v1 =	vimm.s32 $0x67452301;
	v2 =	vimm.s32 $0xDCFE98BA  }
0x3: {  	s5 =	rddreg [dreg:$0x2];
	v3 =	vimm.s32 $0x54761032;
	v4 =	vimm.s32 $0xBA98FEDC;
	v5 =	vimm.s32 $0x32107654  }
0x4: {  	s0 =	rddreg [dreg:$0x3];
	s6 =	srdreg.scid;
	v0 =	vunpack.c.l.s4.s8 v0;
	v1 =	vunpack.c.l.s4.s8 v1;
	v2 =	vunpack.c.l.s4.s8 v2  }
0x5: {  	s1 =	stileid.u32;
	s2 =	simm.s32 $0x0;
	s9 =	simm.s32 $0x4800;
	v3 =	vunpack.c.l.s4.s8 v3;
	v4 =	vunpack.c.l.s4.s8 v4;
	v5 =	vunpack.c.l.s4.s8 v5  }
0x6: {  	s10 =	simm.s32 $0x0;
	s6 =	sand.u32 $0x1, s6;
	s7 =	sshll.u32 s1, $0x1;
	v6 =	vunpack.c.0.s8.s32 v0;
	v1 =	vunpack.c.0.s8.s32 v1;
	v2 =	vunpack.c.0.s8.s32 v2  }
0x7: {  	[smem:$0x7FF] =	sst s2;
	s7 =	sor.u32 s6, s7;
	s6 =	ssub.s32 $0x2, s6;
	v3 =	vunpack.c.0.s8.s32 v3;
	v4 =	vunpack.c.0.s8.s32 v4;
	v5 =	vunpack.c.0.s8.s32 v5  }
0x8: {  	vm0 =	vmmov $0xff;
	_ =	strace $0x8000004A;
	s8 =	sshll.u32 s7, $0xB;
	s31 =	sshrl.u32 s6, $0x1;
	v6 =	vcombine.low v1, v6  }
0x9: {  	s7 =	sshll.u32 s7, $0x8;
	v0 =	vlaneseq.u32;
	s3 =	sadd.s32 s8, s3;
	s6 =	ssub.s32 s6, s31;
	v7 =	vcombine.low v3, v2;
	v8 =	vcombine.low v5, v4  }
0xa: {  	s4 =	sadd.s32 s4, s7;
	s5 =	sadd.s32 s5, s7;
	s7 =	simm.s32 $0x1;
	v1 =	vor.u32 $0x10, v0;
	v2 =	vor.u32 $0x20, v0;
	v3 =	vor.u32 $0x30, v0  }
0xb: {  	s8 =	simm.s32 $0x4000;
	s3 =	sadd.s32 $0x15600, s3;
	s6 =	smax.u32 s6, $0x1;
	v4 =	vand.u32 $0xF, v6;
	v5 =	vand.u32 $0xF, v7;
	v6 =	vand.u32 $0xF, v8  }
.LBB2_1:
0xc: {  	[tilespmem:s2], [sflag:$0x1] =	stream.linear.gather [hbm4b:s3+s2], $0x4000, $0x38;
	[tilespmem:$0x5000] =	vst v63  }
0xd: {  	_ =	swait.ge [sflag:s7], $0x4000  }
0xe: {  	[sflag:s7] =	ssyncset.done $0x0  }
0xf: {  	s11 =	simm.s32 $0x80;
	[sflag:s7] =	ssyncadd.s32 $0xFFFFC000  }
0x10: {  	v7 =	vld [tilespmem:s11+$0x20]  }
0x11: {  	v8 =	vld [tilespmem:s11+$0x30];
	_ =	sdelay $0x1  }
0x12: {  	s12 =	simm.s32 $0xC0;
	v9 =	vld [tilespmem:s11+$0xFFFFFFB0]  }
0x13: {  	s13 =	sor.u32 $0x70, s12;
	v10 =	vld [tilespmem:s11+$0xFFFFFFA0]  }
0x14: {  	v11 =	vld [tilespmem:s13+$0x0];
	(xrf1) =	vsort.dscd.msk.f32 $0xffff, v7, v2  }
0x15: {  	v12 =	vld [tilespmem:s11+$0x10];
	(xrf1) =	vsort.ascd.msk.f32 $0xffff, v8, v3  }
0x16: {  	v7 =	vld [tilespmem:s11+$0x0]  }
0x17: {  	(xrf1) =	vsort.ascd.msk.f32 $0xffff, v9, v3  }
0x18: {  	s23 =	sor.u32 $0x50, s12;
	(xrf1) =	vsort.dscd.msk.f32 $0xffff, v10, v2  }
0x19: {  	v8 =	vld [tilespmem:s23+$0x0];
	(xrf1) =	vsort.ascd.msk.f32 $0xffff, v11, v3  }
0x1a: {  	v9 =	vld [tilespmem:s11+$0x40];
	(xrf1) =	vsort.ascd.msk.f32 $0xffff, v12, v1  }
0x1b: {  	s12 =	sor.u32 $0x60, s12;
	(xrf1) =	vsort.dscd.msk.f32 $0xffff, v7, v0;
	v7 =	vld [tilespmem:s11+$0xFFFFFF90]  }
0x1c: {  	v10 =	vld [tilespmem:s12+$0x0]  }
0x1d: {  	v11 =	vld [tilespmem:s11+$0xFFFFFF80]  }
0x1e: {  	s24 =	simm.s32 $0x40;
	(xrf1) =	vsort.ascd.msk.f32 $0xffff, v8, v1  }
0x1f: {  	s25 =	sor.u32 $0x60, s24;
	(xrf1) =	vsort.dscd.msk.f32 $0xffff, v9, v0  }
0x20: {  	v8 =	vld [tilespmem:s25+$0x0];
	(xrf1) =	vsort.ascd.msk.f32 $0xffff, v7, v1  }
0x21: {  	(xrf1) =	vsort.dscd.msk.f32 $0xffff, v10, v2  }
0x22: {  	s26 =	sor.u32 $0x70, s24;
	(xrf1) =	vsort.dscd.msk.f32 $0xffff, v11, v0;
	v9, v10, _ =	vpop (xrf1)  }
0x23: {  	v7 =	vld [tilespmem:s26+$0x0];
	v11, v12, _ =	vpop (xrf1)  }
0x24: {  	v9 =	vsel vm0, v9, v11  }
0x25: {  	(xrf1) =	vsort.dscd.msk.f32 $0xffff, v8, v2;
	v13, v14, _ =	vpop (xrf1);
	v8 =	vsel vm0, v10, v12  }
0x26: {  	v10, v11, _ =	vpop (xrf1)  }
0x27: {  	(xrf1) =	vsort.ascd.msk.f32 $0xffff, v9, v8;
	v12, v15, _ =	vpop (xrf1)  }
0x28: {  	(xrf1) =	vsort.ascd.msk.f32 $0xffff, v7, v3;
	v8, v9, _ =	vpop (xrf1)  }
0x29: {  	v7, v16, _ =	vpop (xrf1)  }
0x2a: {  	v7 =	vsel vm0, v7, v8;
	v8 =	vsel vm0, v16, v9  }
0x2b: {  	s12 =	sor.u32 $0x50, s24;
	(xrf1) =	vsort.dscd.msk.f32 $0xffff, v7, v8;
	v7 =	vld [tilespmem:s11+$0xFFFFFFC0]  }
0x2c: {  	v9, v16, _ =	vpop (xrf1);
	v8 =	vld [tilespmem:s12+$0x0]  }
0x2d: {  	v17, v18, _ =	vpop (xrf1)  }
0x2e: {  	v19, v20, _ =	vpop (xrf1)  }
0x2f: {  	v21, v22, _ =	vpop (xrf1)  }
0x30: {  	v23, v24, _ =	vpop (xrf1);
	(xrf1) =	vsort.dscd.msk.f32 $0xffff, v7, v0  }
0x31: {  	v16 =	vsel vm0, v18, v16;
	(xrf1) =	vsort.ascd.msk.f32 $0xffff, v8, v1;
	v8 =	vsel vm0, v24, v20  }
0x32: {  	s28 =	simm.s32 $0x180;
	v11 =	vsel vm0, v11, v14;
	v7 =	vsel vm0, v23, v19  }
0x33: {  	v19 =	vld [tilespmem:s28+$0x20];
	(xrf1) =	vsort.dscd.msk.f32 $0xffff, v7, v8;
	v7 =	vsel vm0, v10, v13  }
0x34: {  	v9 =	vsel vm0, v17, v9;
	v8, v10, _ =	vpop (xrf1)  }
0x35: {  	v14 =	vsel vm0, v22, v15;
	v13 =	vld [tilespmem:s28+$0x30];
	(xrf1) =	vsort.dscd.msk.f32 $0xffff, v9, v16;
	v15, v16, _ =	vpop (xrf1)  }
0x36: {  	v12 =	vsel vm0, v21, v12;
	v9 =	vld [tilespmem:s28+$0xFFFFFFB0];
	(xrf1) =	vsort.ascd.msk.f32 $0xffff, v7, v11;
	v7, v11, _ =	vpop (xrf1)  }
0x37: {  	s29 =	simm.s32 $0x1C0;
	(xrf1) =	vsort.ascd.msk.f32 $0xffff, v12, v14;
	v7 =	vsel vm0, v8, v7;
	v8 =	vsel vm0, v10, v11  }
0x38: {  	s30 =	sor.u32 $0x70, s29;
	v12 =	vld [tilespmem:s28+$0xFFFFFFA0];
	(xrf1) =	vsort.dscd.msk.f32 $0xffff, v19, v2  }
0x39: {  	v10 =	vld [tilespmem:s30+$0x0];
	(xrf1) =	vsort.ascd.msk.f32 $0xffff, v7, v8  }
0x3a: {  	v7 =	vld [tilespmem:s28+$0x10];
	(xrf1) =	vsort.ascd.msk.f32 $0xffff, v13, v3;
	v8, v11, _ =	vpop (xrf1)  }
0x3b: {  	v13 =	vld [tilespmem:s28+$0x0];
	(xrf1) =	vsort.ascd.msk.f32 $0xffff, v9, v3;
	v11 =	vsel vm0, v11, v16;
	v8 =	vsel vm0, v8, v15  }
0x3c: {  	(xrf1) =	vsort.dscd.msk.f32 $0xffff, v8, v11  }
0x3d: {  	s31 =	sor.u32 $0x50, s29;
	(xrf1) =	vsort.dscd.msk.f32 $0xffff, v12, v2  }
0x3e: {  	v8 =	vld [tilespmem:s31+$0x0];
	(xrf1) =	vsort.ascd.msk.f32 $0xffff, v10, v3  }
0x3f: {  	v9 =	vld [tilespmem:s28+$0x40];
	(xrf1) =	vsort.ascd.msk.f32 $0xffff, v7, v1  }
0x40: {  	s12 =	sor.u32 $0x60, s29;
	v7 =	vld [tilespmem:s28+$0xFFFFFF90];
	v10, v11, _ =	vpop (xrf1);
	(xrf1) =	vsort.dscd.msk.f32 $0xffff, v13, v0  }
0x41: {  	v12 =	vld [tilespmem:s12+$0x0];
	v13, v14, _ =	vpop (xrf1)  }
0x42: {  	s14 =	simm.s32 $0x140;
	v15, v16, _ =	vpop (xrf1)  }
0x43: {  	s15 =	sor.u32 $0x60, s14;
	v17 =	vld [tilespmem:s28+$0xFFFFFF80];
	v11 =	vsel vm0, v11, v14;
	v18, v19, _ =	vpop (xrf1);
	(xrf1) =	vsort.ascd.msk.f32 $0xffff, v8, v1  }
0x44: {  	v10 =	vsel vm0, v10, v13;
	v8 =	vld [tilespmem:s15+$0x0];
	v20, v21, _ =	vpop (xrf1);
	(xrf1) =	vsort.dscd.msk.f32 $0xffff, v9, v0  }
0x45: {  	(xrf1) =	vsort.ascd.msk.f32 $0xffff, v7, v1;
	v7, v9, _ =	vpop (xrf1)  }
0x46: {  	(xrf1) =	vsort.dscd.msk.f32 $0xffff, v12, v2;
	v12, v13, _ =	vpop (xrf1)  }
0x47: {  	(xrf1) =	vsort.dscd.msk.f32 $0xffff, v10, v11;
	v10, v11, _ =	vpop (xrf1)  }
0x48: {  	s16 =	sor.u32 $0x70, s14;
	v7 =	vsel vm0, v18, v7;
	v18 =	vsel vm0, v19, v9;
	(xrf1) =	vsort.dscd.msk.f32 $0xffff, v17, v0;
	v17, v22, _ =	vpop (xrf1)  }
0x49: {  	v14 =	vld [tilespmem:s16+$0x0];
	v19, v23, _ =	vpop (xrf1);
	(xrf1) =	vsort.dscd.msk.f32 $0xffff, v8, v2;
	v8 =	vsel vm0, v15, v20;
	v15 =	vsel vm0, v16, v21  }
0x4a: {  	(xrf1) =	vsort.dscd.msk.f32 $0xffff, v7, v18;
	v7 =	vsel vm0, v12, v17;
	v16, v9, _ =	vpop (xrf1)  }
0x4b: {  	v12 =	vsel vm0, v13, v22;
	v13, v17, _ =	vpop (xrf1)  }
0x4c: {  	(xrf1) =	vsort.dscd.msk.f32 $0xffff, v8, v15;
	v15, v18, _ =	vpop (xrf1)  }
0x4d: {  	(xrf1) =	vsort.ascd.msk.f32 $0xffff, v7, v12;
	v7, v8, _ =	vpop (xrf1)  }
0x4e: {  	(xrf1) =	vsort.ascd.msk.f32 $0xffff, v14, v3;
	v12, v14, _ =	vpop (xrf1)  }
0x4f: {  	v8 =	vsel vm0, v14, v8;
	_ =	sdelay $0x1  }
0x50: {  	v7 =	vsel vm0, v12, v7  }
0x51: {  	s12 =	sor.u32 $0x50, s14;
	(xrf1) =	vsort.dscd.msk.f32 $0xffff, v7, v8;
	v7 =	vld [tilespmem:s28+$0xFFFFFFC0];
	v8, v12, _ =	vpop (xrf1)  }
0x52: {  	v14 =	vld [tilespmem:s12+$0x0];
	v20, v21, _ =	vpop (xrf1)  }
0x53: {  	v22, v24, _ =	vpop (xrf1)  }
0x54: {  	v25, v26, _ =	vpop (xrf1)  }
0x55: {  	v27, v28, _ =	vpop (xrf1)  }
0x56: {  	v8 =	vsel vm0, v20, v8;
	v12 =	vsel vm0, v21, v12;
	(xrf1) =	vsort.dscd.msk.f32 $0xffff, v7, v0;
	v29, v30, _ =	vpop (xrf1)  }
0x57: {  	v16 =	vsub.f32 $0.0e+00, v16;
	(xrf1) =	vsort.ascd.msk.f32 $0xffff, v14, v1;
	v14 =	vsel vm0, v29, v22;
	v24 =	vsel vm0, v30, v24  }
0x58: {  	s17 =	simm.s32 $0x280;
	v22, v29, _ =	vpop (xrf1);
	(xrf1) =	vsort.dscd.msk.f32 $0xffff, v14, v24;
	v14 =	vsel vm0, v17, v23  }
0x59: {  	v13 =	vsel vm0, v13, v19;
	v16 =	vmul.f32 $1.442695020e+00, v16;
	v30 =	vld [tilespmem:s17+$0x20];
	v20, v7, _ =	vpop (xrf1)  }
0x5a: {  	(xrf1) =	vsort.dscd.msk.f32 $0xffff, v8, v12;
	v12, v8, _ =	vpop (xrf1)  }
0x5b: {  	(erf) = vpow2.f32 v16;
	v16 =	vsel vm0, v26, v18;
	v17 =	vld [tilespmem:s17+$0x30];
	v18, v21, _ =	vpop (xrf1)  }
0x5c: {  	v19 =	vld [tilespmem:s17+$0xFFFFFFB0];
	v15 =	vsel vm0, v25, v15;
	(xrf1) =	vsort.ascd.msk.f32 $0xffff, v13, v14;
	v13, v14, _ =	vpop (xrf1)  }
0x5d: {  	s18 =	simm.s32 $0x2C0;
	(xrf1) =	vsort.ascd.msk.f32 $0xffff, v15, v16;
	v14 =	vsel vm0, v29, v14  }
0x5e: {  	s19 =	sor.u32 $0x70, s18;
	v15 =	vld [tilespmem:s17+$0xFFFFFFA0];
	(xrf1) =	vsort.dscd.msk.f32 $0xffff, v30, v2;
	v13 =	vsel vm0, v22, v13  }
0x5f: {  	v16 =	vld [tilespmem:s19+$0x0];
	(xrf1) =	vsort.ascd.msk.f32 $0xffff, v13, v14  }
0x60: {  	v13 =	vld [tilespmem:s17+$0x10];
	(xrf1) =	vsort.ascd.msk.f32 $0xffff, v17, v3;
	v14, v22, _ =	vpop (xrf1)  }
0x61: {  	s20 =	sor.u32 $0x50, s18;
	v17 =	vld [tilespmem:s17+$0x0];
	(xrf1) =	vsort.ascd.msk.f32 $0xffff, v19, v3;
	v21 =	vsel vm0, v22, v21;
	v14 =	vsel vm0, v14, v18  }
0x62: {  	v18 =	vld [tilespmem:s20+$0x0];
	(xrf1) =	vsort.dscd.msk.f32 $0xffff, v14, v21  }
0x63: {  	(xrf1) =	vsort.dscd.msk.f32 $0xffff, v15, v2  }
0x64: {  	v14 =	vld [tilespmem:s17+$0x40];
	(xrf1) =	vsort.ascd.msk.f32 $0xffff, v16, v3  }
0x65: {  	s12 =	sor.u32 $0x60, s18;
	v11 =	vsel vm0, v28, v11;
	v15 =	vld [tilespmem:s17+$0xFFFFFF90];
	(xrf1) =	vsort.ascd.msk.f32 $0xffff, v13, v1  }
0x66: {  	v10 =	vsel vm0, v27, v10;
	v13 =	vld [tilespmem:s12+$0x0];
	v19, v21, _ =	vpop (xrf1);
	(xrf1) =	vsort.dscd.msk.f32 $0xffff, v17, v0  }
0x67: {  	v17, v22, _ =	vpop (xrf1);
	(xrf1) =	vsort.ascd.msk.f32 $0xffff, v18, v1  }
0x68: {  	v18 =	vld [tilespmem:s17+$0xFFFFFF80];
	v23, v24, _ =	vpop (xrf1);
	(xrf1) =	vsort.dscd.msk.f32 $0xffff, v10, v11  }
0x69: {  	s21 =	simm.s32 $0x240;
	v10, v11, _ =	vpop (xrf1);
	(xrf1) =	vsort.dscd.msk.f32 $0xffff, v14, v0  }
0x6a: {  	s22 =	sor.u32 $0x60, s21;
	v14, v25, _ =	vpop (xrf1);
	(xrf1) =	vsort.ascd.msk.f32 $0xffff, v15, v1;
	v15 =	vsel vm0, v19, v17  }
0x6b: {  	v17 =	vld [tilespmem:s22+$0x0];
	v19 =	vsel vm0, v21, v22;
	v21, v22, _ =	vpop (xrf1);
	(xrf1) =	vsort.dscd.msk.f32 $0xffff, v13, v2  }
0x6c: {  	v20 =	vsub.f32 $0.0e+00, v20;
	v13, v26, _ =	vpop (xrf1);
	(xrf1) =	vsort.dscd.msk.f32 $0xffff, v15, v19  }
0x6d: {  	v21 =	vsel vm0, v10, v21;
	(xrf1) =	vsort.dscd.msk.f32 $0xffff, v18, v0;
	v15, v18, _ =	vpop (xrf1)  }
0x6e: {  	v12 =	vsub.f32 $0.0e+00, v12;
	v20 =	vmul.f32 $1.442695020e+00, v20;
	v11 =	vsel vm0, v11, v22;
	v19, v27, _ =	vpop (xrf1)  }
0x6f: {  	v28, v29, _ =	vpop (xrf1)  }
0x70: {  	v12 =	vmul.f32 $1.442695020e+00, v12;
	v14 =	vsel vm0, v23, v14;
	(xrf1) =	vsort.dscd.msk.f32 $0xffff, v17, v2;
	v13 =	vsel vm0, v13, v19;
	v17, v10, _ =	vpop (xrf1)  }
0x71: {  	(xrf1) =	vsort.dscd.msk.f32 $0xffff, v21, v11;
	v11, v21, _ =	vpop (xrf1)  }
0x72: {  	s23 =	sor.u32 $0x70, s21;
	v22 =	vsel vm0, v24, v25;
	v23, v24, _ =	vpop (xrf1)  }
0x73: {  	v30 =	vld [tilespmem:s23+$0x0];
	(erf) = vpow2.f32 v20;
	v19 =	vsel vm0, v26, v27;
	(xrf1) =	vsort.dscd.msk.f32 $0xffff, v14, v22;
	v14, v20, _ =	vpop (xrf1)  }
0x74: {  	(erf) = vpow2.f32 v12;
	(xrf1) =	vsort.ascd.msk.f32 $0xffff, v13, v19;
	v12, v13, _ =	vpop (xrf1)  }
0x75: {  	v25, v26, _ =	vpop (xrf1);
	v12 =	vsel vm0, v12, v14;
	v14 =	vsel vm0, v13, v20  }
0x76: {  	s12 =	sor.u32 $0x50, s21;
	v19 =	vld [tilespmem:s17+$0xFFFFFFC0];
	v20, v13, _ =	vpop (xrf1)  }
0x77: {  	v16 =	vpop (erf);
	v22 =	vld [tilespmem:s12+$0x0];
	v20 =	vsub.f32 $0.0e+00, v20  }
0x78: {  	(xrf1) =	vsort.ascd.msk.f32 $0xffff, v30, v3;
	v27, v30, _ =	vpop (xrf1)  }
0x79: {  	(xrf1) =	vsort.dscd.msk.f32 $0xffff, v12, v14;
	v12, v14, _ =	vpop (xrf1);
	v20 =	vmul.f32 $1.442695020e+00, v20  }
0x7a: {  	v31, v32, _ =	vpop (xrf1)  }
0x7b: {  	v17 =	vsub.f32 $0.0e+00, v17;
	(xrf1) =	vsort.dscd.msk.f32 $0xffff, v19, v0;
	v19, v33, _ =	vpop (xrf1)  }
0x7c: {  	(xrf1) =	vsort.ascd.msk.f32 $0xffff, v22, v1;
	v22, v34, _ =	vpop (xrf1)  }
0x7d: {  	v17 =	vmul.f32 $1.442695020e+00, v17;
	(erf) = vpow2.f32 v20;
	v20 =	vpop (erf);
	v12 =	vsel vm0, v22, v12  }
0x7e: {  	v14 =	vsel vm0, v34, v14;
	v22 =	vsel vm0, v27, v25;
	v25 =	vsel vm0, v30, v26;
	v26 =	vpop (erf)  }
0x7f: {  	(xrf1) =	vsort.dscd.msk.f32 $0xffff, v12, v14;
	v12 =	vadd.f32 $1.000000000e+00, v26;
	_ =	sdelay $0x1  }
0x80: {  	(xrf1) =	vsort.dscd.msk.f32 $0xffff, v22, v25;
	v22 =	vsel vm0, v11, v28  }
0x81: {  	v24 =	vsel vm0, v32, v24;
	(erf) = vpow2.f32 v17;
	v14, v17, _ =	vpop (xrf1)  }
0x82: {  	s20 =	simm.s32 $0x380;
	v21 =	vsel vm0, v21, v29;
	v23 =	vsel vm0, v31, v23;
	v25, v11, _ =	vpop (xrf1)  }
0x83: {  	v26 =	vld [tilespmem:s20+$0x20];
	(xrf1) =	vsort.ascd.msk.f32 $0xffff, v22, v21;
	(erf) = vrcp.f32 v12;
	v22, v12, _ =	vpop (xrf1)  }
0x84: {  	v16 =	vadd.f32 $1.000000000e+00, v16;
	v27, v28, _ =	vpop (xrf1)  }
0x85: {  	v21 =	vld [tilespmem:s20+$0x30];
	(xrf1) =	vsort.ascd.msk.f32 $0xffff, v23, v24;
	v23, v24, _ =	vpop (xrf1)  }
0x86: {  	v25 =	vsub.f32 $0.0e+00, v25;
	(erf) = vrcp.f32 v16;
	v16 =	vld [tilespmem:s20+$0xFFFFFFB0];
	v17 =	vsel vm0, v17, v24  }
0x87: {  	s21 =	simm.s32 $0x3C0;
	v14 =	vsel vm0, v14, v23  }
0x88: {  	s24 =	sor.u32 $0x70, s21;
	v29 =	vld [tilespmem:s20+$0xFFFFFFA0];
	v25 =	vmul.f32 $1.442695020e+00, v25;
	(xrf1) =	vsort.dscd.msk.f32 $0xffff, v26, v2  }
0x89: {  	v20 =	vadd.f32 $1.000000000e+00, v20;
	v23 =	vpop (erf);
	v24 =	vld [tilespmem:s24+$0x0];
	(xrf1) =	vsort.ascd.msk.f32 $0xffff, v14, v17  }
0x8a: {  	(erf) = vpow2.f32 v25;
	v25 =	vld [tilespmem:s20+$0x10];
	v23 =	vadd.f32 $1.000000000e+00, v23;
	(xrf1) =	vsort.ascd.msk.f32 $0xffff, v21, v3;
	v14, v17, _ =	vpop (xrf1)  }
0x8b: {  	s25 =	sor.u32 $0x50, s21;
	(erf) = vrcp.f32 v20;
	v20 =	vld [tilespmem:s20+$0x0];
	v21 =	vpop (erf);
	(xrf1) =	vsort.ascd.msk.f32 $0xffff, v16, v3;
	v17 =	vsel vm0, v17, v28;
	v14 =	vsel vm0, v14, v27  }
0x8c: {  	(erf) = vrcp.f32 v23;
	v16, v26, _ =	vpop (xrf1);
	v27 =	vld [tilespmem:s25+$0x0];
	(xrf1) =	vsort.dscd.msk.f32 $0xffff, v14, v17  }
0x8d: {  	v28, v30, _ =	vpop (xrf1);
	(xrf1) =	vsort.dscd.msk.f32 $0xffff, v29, v2  }
0x8e: {  	v17 =	vld [tilespmem:s20+$0x40];
	v14 =	vpop (erf);
	(xrf1) =	vsort.ascd.msk.f32 $0xffff, v24, v3  }
0x8f: {  	s26 =	sor.u32 $0x60, s21;
	v24 =	vld [tilespmem:s20+$0xFFFFFF90];
	v23 =	vpop (erf);
	(xrf1) =	vsort.ascd.msk.f32 $0xffff, v25, v1  }
0x90: {  	v31 =	vld [tilespmem:s26+$0x0];
	v25, v29, _ =	vpop (xrf1);
	(xrf1) =	vsort.dscd.msk.f32 $0xffff, v20, v0  }
0x91: {  	v15 =	vsel vm0, v19, v15;
	v19 =	vsel vm0, v33, v18;
	v50, v35, _ =	vpop (xrf1);
	(xrf1) =	vsort.ascd.msk.f32 $0xffff, v27, v1  }
0x92: {  	v20 =	vsub.f32 $0.0e+00, v22;
	v18 =	vnsel vm0, $0x0, v23;
	v52, v51, _ =	vpop (xrf1);
	(xrf1) =	vsort.dscd.msk.f32 $0xffff, v15, v19  }
0x93: {  	v27 =	vpop (erf);
	v19 =	vperm.xlane v18, v4;
	(xrf1) =	vsort.dscd.msk.f32 $0xffff, v17, v0  }
0x94: {  	v37 =	vmul.f32 $1.442695020e+00, v20;
	v20 =	vsel vm0, v16, v28;
	v17 =	vpop (erf);
	(xrf1) =	vsort.ascd.msk.f32 $0xffff, v24, v1  }
0x95: {  	v28 =	vadd.f32 v18, v19;
	v19 =	vsel vm0, v26, v30;
	v16 =	vnsel vm0, $0x0, v17;
	v17 =	vpop (erf);
	(xrf1) =	vsort.dscd.msk.f32 $0xffff, v31, v2  }
0x96: {  	v15 =	vnsel vm0, $0x0, v14;
	v14, v24, _ =	vpop (xrf1);
	(xrf1) =	vsort.dscd.msk.f32 $0xffff, v20, v19;
	v19 =	vnsel vm0, $0x0, v17;
	v17 =	vperm.xlane v16, v4  }
0x97: {  	s28 =	simm.s32 $0x340;
	v39 =	vld [tilespmem:s20+$0xFFFFFF80];
	v22 =	vadd.f32 $1.000000000e+00, v21;
	v23 =	vadd.f32 $1.000000000e+00, v27;
	v26 =	vperm.xlane v15, v4;
	v31, v38, _ =	vpop (xrf1)  }
0x98: {  	s29 =	sor.u32 $0x60, s28;
	v27 =	vperm.xlane v28, v5;
	v21, v20, _ =	vpop (xrf1);
	v36 =	vperm.xlane v19, v4;
	v17 =	vadd.f32 v16, v17  }
0x99: {  	v41 =	vld [tilespmem:s29+$0x0];
	v25 =	vsel vm0, v25, v52;
	v26 =	vadd.f32 v15, v26;
	v53, v40, _ =	vpop (xrf1)  }
0x9a: {  	v27 =	vadd.f32 v28, v27;
	v34, v30, _ =	vpop (xrf1);
	v28 =	vadd.f32 v19, v36;
	v44 =	vperm.xlane v17, v5  }
0x9b: {  	v42 =	vsel vm0, v50, v14;
	v24 =	vsel vm0, v35, v24;
	v43 =	vperm.xlane v26, v5;
	v32, v14, _ =	vpop (xrf1)  }
0x9c: {  	(xrf1) =	vsort.dscd.msk.f32 $0xffff, v39, v0;
	v36, v35, _ =	vpop (xrf1);
	v46 =	vperm.xlane v28, v5;
	v17 =	vadd.f32 v17, v44  }
0x9d: {  	s30 =	sor.u32 $0x70, s28;
	v29 =	vsel vm0, v29, v51;
	v45 =	vperm.xlane v27, v6;
	v54 =	vsub.f32 $0.0e+00, v32;
	v33, v32, _ =	vpop (xrf1)  }
0x9e: {  	v57 =	vld [tilespmem:s30+$0x0];
	v26 =	vadd.f32 v26, v43;
	(xrf1) =	vsort.dscd.msk.f32 $0xffff, v41, v2;
	v55, v56, _ =	vpop (xrf1);
	v28 =	vadd.f32 v28, v46  }
0x9f: {  	(erf) = vpow2.f32 v37;
	v31 =	vsel vm0, v31, v53;
	v59, v58, _ =	vpop (xrf1);
	v60 =	vperm.xlane v17, v6;
	(xrf1) =	vsort.dscd.msk.f32 $0xffff, v42, v24  }
0xa0: {  	v38 =	vsel vm0, v38, v40;
	v61 =	vperm.xlane v26, v6;
	v37, v40, _ =	vpop (xrf1);
	v48 =	vperm.xlane v28, v6  }
0xa1: {  	v27 =	vadd.f32 v27, v45;
	(xrf1) =	vsort.dscd.msk.f32 $0xffff, v25, v29;
	v62 =	vadd.f32 v17, v60;
	v45, v17, _ =	vpop (xrf1)  }
0xa2: {  	v46 =	vadd.f32 v26, v61;
	v26 =	vadd.f32 v28, v48;
	v28, v29, _ =	vpop (xrf1);
	(xrf1) =	vsort.ascd.msk.f32 $0xffff, v31, v38  }
0xa3: {  	v24 =	vadd.f32 $9.999999680e-21, v27;
	v42, v41, _ =	vpop (xrf1);
	(xrf1) =	vsort.ascd.msk.f32 $0xffff, v57, v3;
	_ =	sdelay $0x1  }
0xa4: {  	s31 =	sor.u32 $0x50, s28;
	(erf) = vrcp.f32 v24;
	v40 =	vsel vm0, v29, v40;
	v29 =	vld [tilespmem:s20+$0xFFFFFFC0]  }
0xa5: {  	s13 =	simm.s32 $0x38;
	v27 =	vsel vm0, v58, v56;
	v31 =	vld [tilespmem:s31+$0x0]  }
0xa6: {  	s11 =	simm.s32 $0x38;
	s14 =	simm.s32 $0x20;
	s16 =	simm.s32 $0x18;
	v47 =	vsel vm0, v59, v55;
	v24 =	vsub.f32 $0.0e+00, v45;
	v63 =	vadd.f32 $9.999999680e-21, v62  }
0xa7: {  	s15 =	simm.s32 $0x30;
	s18 =	simm.s32 $0x10;
	s19 =	simm.s32 $0x8;
	v25 =	vmul.f32 $1.442695020e+00, v54;
	v39 =	vsel vm0, v28, v37;
	v28 =	vadd.f32 $9.999999680e-21, v26;
	v38, v37, _ =	vpop (xrf1);
	(xrf1) =	vsort.dscd.msk.f32 $0xffff, v47, v27  }
0xa8: {  	s22 =	simm.s32 $0xC;
	s12 =	simm.s32 $0x28;
	s17 =	simm.s32 $0x0;
	v43 =	vmul.f32 $1.442695020e+00, v24;
	v24 =	vadd.f32 $9.999999680e-21, v46;
	(erf) = vrcp.f32 v63;
	v27, v26, _ =	vpop (xrf1)  }
.LBB2_2:
0xa9: {  	s22 =	sadd.s32 $0x4, s22;
	v44, v45, _ =	vpop (xrf1);
	(xrf1) =	vsort.dscd.msk.f32 $0xffff, v29, v0;
	s11 =	sadd.s32 $0x20, s11;
	(erf) = vrcp.f32 v28  }
0xaa: {  	p0 =	slt.u32 s22, $0xFC;
	(xrf1) =	vsort.ascd.msk.f32 $0xffff, v31, v1;
	s23 =	sadd.s32 $0xFFFFFFE8, s11;
	s24 =	sadd.s32 $0xFFFFFFF8, s11;
	v28 =	vpop (erf);
	(erf) = vpow2.f32 v43  }
0xab: {  	v29 =	vsel vm0, v44, v42;
	v31 =	vsel vm0, v36, v34;
	s25 =	sadd.s32 $0xFFFFFFF0, s11;
	v34, v36, _ =	vpop (xrf1);
	(erf) = vrcp.f32 v24  }
0xac: {  	v30 =	vsel vm0, v35, v30;
	s20 =	sadd.s32 $0x100, s20;
	v24 =	vsel vm0, v45, v41;
	v35, v41, _ =	vpop (xrf1)  }
0xad: {  	v42 =	vld [tilespmem:s20+$0xFFFFFFB0];
	(xrf1) =	vsort.dscd.msk.f32 $0xffff, v29, v24;
	v24 =	vsub.f32 $0.0e+00, v35;
	(erf) = vpow2.f32 v25;
	v25 =	vpop (erf)  }
0xae: {  	v28 =	vadd.f32 $1.000000000e+00, v28;
	v29 =	vld [tilespmem:s20+$0x30];
	(xrf1) =	vsort.dscd.msk.f32 $0xffff, v39, v40;
	v35, v39, _ =	vpop (xrf1);
	v40 =	vor.u32 s18, v0;
	s18 =	smov.u32 s15;
	s15 =	smov.u32 s24  }
0xaf: {  	v33 =	vsel vm0, v38, v33;
	v32 =	vsel vm0, v37, v32;
	v43 =	vld [tilespmem:s20+$0x20];
	v37, v38, _ =	vpop (xrf1);
	v35 =	vsub.f32 $0.0e+00, v35  }
0xb0: {  	v45 =	vmul.f32 $1.442695020e+00, v24;
	v44 =	vld [tilespmem:s20+$0x10];
	(xrf1) =	vsort.ascd.msk.f32 $0xffff, v31, v30;
	v30, v31, _ =	vpop (xrf1);
	(erf) = vrcp.f32 v28  }
0xb1: {  	v18 =	vmul.f32 v25, v18;
	v28 =	vld [tilespmem:s20+$0x0];
	(erf) = vrcp.f32 v22;
	v22 =	vpop (erf)  }
0xb2: {  	v24 =	vmul.f32 $1.442695020e+00, v35;
	v25 =	vld [tilespmem:s20+$0xFFFFFFA0];
	(xrf1) =	vsort.ascd.msk.f32 $0xffff, v33, v32;
	v32 =	vor.u32 s17, v0;
	v33 =	vpop (erf);
	s17 =	smov.u32 s14;
	s14 =	smov.u32 s23  }
0xb3: {  	s21 =	sadd.s32 $0x100, s21;
	v48 =	vsel vm0, v34, v30;
	v47 =	vsel vm0, v36, v31;
	v36 =	vadd.s32 s19, v0;
	s19 =	smov.u32 s12;
	s12 =	smov.u32 s25;
	v35 =	vld [tilespmem:s20+$0xFFFFFF90];
	v34 =	vpop (erf);
	[tilespmem:v40+s8+$0x0] =	vst.idx.msk $0xff, v18  }
0xb4: {  	s23 =	sor.u32 $0x70, s21;
	v46 =	vld [tilespmem:s20+$0x40];
	(xrf1) =	vsort.dscd.msk.f32 $0xffff, v43, v2;
	(erf) = vpow2.f32 v45;
	v18 =	vadd.f32 $1.000000000e+00, v34;
	[tilespmem:v40+s9+$0x0] =	vst.idx.msk $0xff, v9;
	v9 =	vpop (erf)  }
0xb5: {  	s26 =	sor.u32 $0x60, s21;
	s24 =	sadd.s32 $0xFFFFFF80, s21;
	s25 =	sor.u32 $0x50, s21;
	v16 =	vmul.f32 v22, v16;
	v40 =	vadd.s32 s16, v0;
	v34 =	vld [tilespmem:s23+$0x0];
	(xrf1) =	vsort.ascd.msk.f32 $0xffff, v48, v47;
	v30, v31, _ =	vpop (xrf1);
	v45 =	vmul.f32 v9, v15  }
0xb6: {  	s28 =	sor.u32 $0x60, s24;
	v19 =	vmul.f32 v33, v19;
	s23 =	sor.u32 $0x50, s24;
	s24 =	sor.u32 $0x70, s24;
	v43 =	vld [tilespmem:s25+$0x0];
	(xrf1) =	vsort.ascd.msk.f32 $0xffff, v29, v3;
	v15 =	vsel vm0, v31, v38;
	v22 =	vpop (erf);
	(erf) = vrcp.f32 v23  }
0xb7: {  	s16 =	smov.u32 s13;
	s13 =	smov.u32 s11;
	v23 =	vsel vm0, v30, v37;
	v29 =	vld [tilespmem:s26+$0x0];
	(xrf1) =	vsort.ascd.msk.f32 $0xffff, v42, v3;
	v30, v33, _ =	vpop (xrf1);
	v22 =	vadd.f32 $1.000000000e+00, v22;
	[tilespmem:v32+s8+$0x0] =	vst.idx.msk $0xff, v45  }
0xb8: {  	v9 =	vmov v10;
	v37 =	vld [tilespmem:s24+$0x0];
	v38, v42, _ =	vpop (xrf1);
	(xrf1) =	vsort.dscd.msk.f32 $0xffff, v23, v15;
	(erf) = vrcp.f32 v18;
	[tilespmem:v36+s8+$0x0] =	vst.idx.msk $0xff, v19  }
0xb9: {  	v10 =	vmov v14;
	v31 =	vld [tilespmem:s23+$0x0];
	(xrf1) =	vsort.dscd.msk.f32 $0xffff, v25, v2;
	v19 =	vsel vm0, v30, v38;
	v15 =	vpop (erf);
	[tilespmem:v36+s9+$0x0] =	vst.idx.msk $0xff, v13  }
0xba: {  	v14 =	vld [tilespmem:s28+$0x0];
	(xrf1) =	vsort.ascd.msk.f32 $0xffff, v34, v3;
	v15 =	vnsel vm0, $0x0, v15;
	v13 =	vpop (erf);
	[tilespmem:v32+s9+$0x0] =	vst.idx.msk $0xff, v8;
	v8 =	vmov v12  }
0xbb: {  	v25 =	vld [tilespmem:s20+$0xFFFFFF80];
	(xrf1) =	vsort.ascd.msk.f32 $0xffff, v44, v1;
	v30, v32, _ =	vpop (xrf1);
	v34 =	vperm.xlane v15, v4;
	v18 =	vnsel vm0, $0x0, v13;
	[tilespmem:v40+s8+$0x0] =	vst.idx.msk $0xff, v16  }
0xbc: {  	(xrf1) =	vsort.dscd.msk.f32 $0xffff, v28, v0;
	v28, v36, _ =	vpop (xrf1);
	v38 =	vperm.xlane v18, v4;
	[tilespmem:v40+s9+$0x0] =	vst.idx.msk $0xff, v7;
	v7 =	vmov v11  }
0xbd: {  	v40 =	vsel vm0, v26, v20;
	v11 =	vmov v41;
	(xrf1) =	vsort.ascd.msk.f32 $0xffff, v43, v1;
	v43 =	vsel vm0, v27, v21;
	v20 =	vpop (erf)  }
0xbe: {  	v12 =	vmov v39;
	v21, v26, _ =	vpop (xrf1);
	v23 =	vadd.f32 $1.000000000e+00, v20;
	(xrf1) =	vsort.dscd.msk.f32 $0xffff, v43, v40;
	v20 =	vadd.f32 v18, v38  }
0xbf: {  	v13 =	vmov v17;
	v27 =	vsel vm0, v33, v42;
	v38 =	vadd.f32 v15, v34;
	(xrf1) =	vsort.dscd.msk.f32 $0xffff, v46, v0;
	v16 =	vpop (erf)  }
0xc0: {  	v17 =	vsel vm0, v30, v21;
	(xrf1) =	vsort.ascd.msk.f32 $0xffff, v35, v1;
	v21, v30, _ =	vpop (xrf1);
	v33 =	vperm.xlane v20, v5;
	v16 =	vnsel vm0, $0x0, v16  }
0xc1: {  	v26 =	vsel vm0, v32, v26;
	(xrf1) =	vsort.dscd.msk.f32 $0xffff, v29, v2;
	v28 =	vsel vm0, v28, v21;
	v21 =	vpop (erf)  }
0xc2: {  	v29, v32, _ =	vpop (xrf1);
	(xrf1) =	vsort.dscd.msk.f32 $0xffff, v19, v27;
	v19 =	vnsel vm0, $0x0, v21;
	v27 =	vadd.f32 v20, v33;
	v33 =	vperm.xlane v16, v4  }
0xc3: {  	(xrf1) =	vsort.dscd.msk.f32 $0xffff, v25, v0;
	v25 =	vsel vm0, v36, v30;
	v21, v20, _ =	vpop (xrf1);
	v44 =	vperm.xlane v19, v4  }
0xc4: {  	v39 =	vperm.xlane v38, v5;
	v42, v36, _ =	vpop (xrf1);
	v40 =	vperm.xlane v27, v6;
	v41 =	vadd.f32 v16, v33  }
0xc5: {  	v29 =	vsel vm0, v29, v42;
	v34, v30, _ =	vpop (xrf1);
	(xrf1) =	vsort.dscd.msk.f32 $0xffff, v14, v2;
	v42 =	vadd.f32 v19, v44  }
0xc6: {  	v43 =	vsel vm0, v32, v36;
	v32, v14, _ =	vpop (xrf1);
	(xrf1) =	vsort.dscd.msk.f32 $0xffff, v28, v25;
	v25 =	vperm.xlane v41, v5  }
0xc7: {  	v27 =	vadd.f32 v27, v40;
	v36, v35, _ =	vpop (xrf1);
	v45 =	vsub.f32 $0.0e+00, v32;
	v44 =	vperm.xlane v42, v5  }
0xc8: {  	v33, v32, _ =	vpop (xrf1);
	(xrf1) =	vsort.dscd.msk.f32 $0xffff, v17, v26;
	v26 =	vadd.f32 v38, v39;
	v38 =	vadd.f32 v41, v25  }
0xc9: {  	v17, v39, _ =	vpop (xrf1);
	(xrf1) =	vsort.ascd.msk.f32 $0xffff, v29, v43;
	v25 =	vmul.f32 $1.442695020e+00, v45;
	(erf) = vpow2.f32 v24;
	v24 =	vadd.f32 v42, v44  }
0xca: {  	v46 =	vadd.f32 $9.999999680e-21, v27;
	(xrf1) =	vsort.ascd.msk.f32 $0xffff, v37, v3;
	v28, v37, _ =	vpop (xrf1);
	v40 =	vperm.xlane v26, v6;
	v49 =	vperm.xlane v38, v6  }
0xcb: {  	v29 =	vld [tilespmem:s20+$0xFFFFFFC0];
	v28 =	vsel vm0, v28, v17;
	v37 =	vsel vm0, v37, v39;
	v39, v43, _ =	vpop (xrf1);
	v47 =	vperm.xlane v24, v6  }
.Ltmp0:
0xcc: {  	v44, v17, _ =	vpop (xrf1);
	v45 =	vadd.f32 v26, v40;
	v48 =	vadd.f32 v38, v49;
	(erf) = vrcp.f32 v46;
	(pc) =	sbr.rel @p0 .LBB2_2-.Ltmp0, $4  }
0xcd: {  	v27, v38, _ =	vpop (xrf1);
	v24 =	vadd.f32 v24, v47  }
0xce: {  	v44 =	vsub.f32 $0.0e+00, v44;
	v42, v41, _ =	vpop (xrf1);
	v46 =	vadd.f32 $9.999999680e-21, v48  }
0xcf: {  	v39 =	vsel vm0, v27, v39;
	v40 =	vsel vm0, v38, v43;
	(xrf1) =	vsort.dscd.msk.f32 $0xffff, v28, v37;
	v38, v37, _ =	vpop (xrf1);
	v28 =	vadd.f32 $9.999999680e-21, v24  }
0xd0: {  	v43 =	vmul.f32 $1.442695020e+00, v44;
	v24 =	vadd.f32 $9.999999680e-21, v45;
	v27, v26, _ =	vpop (xrf1);
	(erf) = vrcp.f32 v46  }
0xd1: {  	(erf) = vrcp.f32 v28  }
0xd2: {  	(erf) = vpow2.f32 v43;
	_ =	sdelay $0x1  }
0xd3: {  	v62, v44, _ =	vpop (xrf1);
	(xrf1) =	vsort.dscd.msk.f32 $0xffff, v29, v0  }
0xd4: {  	v45 =	vpop (erf)  }
0xd5: {  	v46, v47, _ =	vpop (xrf1);
	(erf) = vrcp.f32 v24  }
0xd6: {  	v63, v24, _ =	vpop (xrf1)  }
0xd7: {  	v45 =	vadd.f32 $1.000000000e+00, v45;
	v48 =	vsub.f32 $0.0e+00, v63;
	v28 =	vpop (erf);
	(erf) = vpow2.f32 v25  }
0xd8: {  	v34 =	vsel vm0, v36, v34;
	v25 =	vpop (erf)  }
0xd9: {  	v30 =	vsel vm0, v35, v30;
	(xrf1) =	vsort.ascd.msk.f32 $0xffff, v31, v1;
	v48 =	vmul.f32 $1.442695020e+00, v48;
	(erf) = vrcp.f32 v45;
	v29 =	vpop (erf)  }
0xda: {  	v41 =	vsel vm0, v44, v41;
	v45 =	vsel vm0, v62, v42;
	(erf) = vrcp.f32 v22;
	v49 =	vpop (erf)  }
0xdb: {  	v32 =	vsel vm0, v37, v32;
	(xrf1) =	vsort.dscd.msk.f32 $0xffff, v45, v41;
	v51, v22, _ =	vpop (xrf1);
	(erf) = vpow2.f32 v48;
	v50 =	vadd.f32 $1.000000000e+00, v49  }
0xdc: {  	(xrf1) =	vsort.dscd.msk.f32 $0xffff, v39, v40;
	v54, v53, _ =	vpop (xrf1);
	(erf) = vrcp.f32 v23  }
0xdd: {  	v52 =	vsel vm0, v38, v33;
	(xrf1) =	vsort.ascd.msk.f32 $0xffff, v34, v30;
	v30, v34, _ =	vpop (xrf1);
	(erf) = vrcp.f32 v50  }
0xde: {  	v31 =	vpop (erf);
	(xrf1) =	vsort.ascd.msk.f32 $0xffff, v52, v32  }
0xdf: {  	v23, v32, _ =	vpop (xrf1)  }
0xe0: {  	v37 =	vpop (erf)  }
0xe1: {  	v30 =	vsel vm0, v46, v30;
	v34 =	vsel vm0, v47, v34;
	v60, v59, _ =	vpop (xrf1)  }
0xe2: {  	(xrf1) =	vsort.ascd.msk.f32 $0xffff, v30, v34;
	v55 =	vsel vm0, v32, v53;
	v23 =	vsel vm0, v23, v54;
	v32 =	vpop (erf)  }
0xe3: {  	v21 =	vsel vm0, v27, v21;
	v20 =	vsel vm0, v26, v20;
	(xrf1) =	vsort.dscd.msk.f32 $0xffff, v23, v55;
	v56 =	vpop (erf)  }
0xe4: {  	(xrf1) =	vsort.dscd.msk.f32 $0xffff, v21, v20;
	v33 =	vpop (erf)  }
0xe5: {  	v30 =	vnsel vm0, $0x0, v56;
	v57 =	vpop (erf)  }
0xe6: {  	v23 =	vperm.xlane v30, v4;
	v21 =	vnsel vm0, $0x0, v57;
	v58 =	vpop (erf)  }
0xe7: {  	v63, v62, _ =	vpop (xrf1);
	v61 =	vperm.xlane v21, v4;
	v26 =	vnsel vm0, $0x0, v58  }
0xe8: {  	v27 =	vsel vm0, v60, v63;
	v23 =	vadd.f32 v30, v23;
	v48 =	vperm.xlane v26, v4  }
0xe9: {  	v34 =	vsel vm0, v59, v62;
	v32 =	vnsel vm0, $0x0, v32;
	v40, v41, _ =	vpop (xrf1);
	v20 =	vadd.f32 v21, v61  }
0xea: {  	v58 =	vperm.xlane v32, v4;
	v42, v43, _ =	vpop (xrf1);
	v49 =	vperm.xlane v23, v5;
	v39 =	vadd.f32 v26, v48  }
0xeb: {  	v35 =	vsub.f32 $0.0e+00, v51;
	v36, v45, _ =	vpop (xrf1);
	(xrf1) =	vsort.dscd.msk.f32 $0xffff, v27, v34;
	v50 =	vperm.xlane v20, v5  }
0xec: {  	v61 =	vadd.f32 v32, v58;
	v51, v52, _ =	vpop (xrf1);
	v23 =	vadd.f32 v23, v49;
	v53 =	vperm.xlane v39, v5  }
0xed: {  	v54 =	vsel vm0, v42, v51;
	v55 =	vsel vm0, v43, v52;
	v38 =	vadd.f32 v20, v50  }
0xee: {  	v35 =	vmul.f32 $1.442695020e+00, v35;
	v56 =	vperm.xlane v23, v6;
	(xrf1) =	vsort.dscd.msk.f32 $0xffff, v54, v55;
	v57 =	vadd.f32 v39, v53  }
0xef: {  	v44 =	vperm.xlane v61, v5;
	v59 =	vperm.xlane v38, v6  }
0xf0: {  	v42, v43, _ =	vpop (xrf1);
	v23 =	vadd.f32 v23, v56;
	v60 =	vperm.xlane v57, v6  }
0xf1: {  	(erf) = vpow2.f32 v35;
	v62, v20, _ =	vpop (xrf1);
	v49 =	vadd.f32 v61, v44;
	v38 =	vadd.f32 v38, v59  }
0xf2: {  	v63, v27, _ =	vpop (xrf1);
	v23 =	vadd.f32 $9.999999680e-21, v23;
	v34 =	vadd.f32 v57, v60  }
0xf3: {  	v35 =	vsub.f32 $0.0e+00, v63;
	v38 =	vadd.f32 $9.999999680e-21, v38  }
0xf4: {  	v50 =	vperm.xlane v49, v6;
	(erf) = vrcp.f32 v23;
	v48 =	vadd.f32 $9.999999680e-21, v34  }
0xf5: {  	v35 =	vmul.f32 $1.442695020e+00, v35;
	(erf) = vrcp.f32 v38  }
0xf6: {  	(erf) = vrcp.f32 v48  }
0xf7: {  	v23 =	vadd.f32 v49, v50;
	(erf) = vpow2.f32 v35  }
0xf8: {  	v51 =	vsub.f32 $0.0e+00, v62  }
0xf9: {  	v54 =	vadd.f32 $9.999999680e-21, v23  }
0xfa: {  	v55 =	vpop (erf);
	v34 =	vmul.f32 $1.442695020e+00, v51  }
0xfb: {  	v44 =	vadd.f32 $1.000000000e+00, v55;
	v53, v52, _ =	vpop (xrf1);
	(erf) = vrcp.f32 v54  }
0xfc: {  	v37 =	vadd.f32 $1.000000000e+00, v37;
	(erf) = vpow2.f32 v34;
	v56, v23, _ =	vpop (xrf1)  }
0xfd: {  	(erf) = vrcp.f32 v44;
	v57 =	vsub.f32 $0.0e+00, v56;
	v46 =	vpop (erf)  }
0xfe: {  	(erf) = vrcp.f32 v37;
	v34 =	vpop (erf)  }
0xff: {  	v58 =	vmul.f32 $1.442695020e+00, v57;
	v39 =	vpop (erf)  }
0x100: {  	v33 =	vadd.f32 $1.000000000e+00, v33;
	v59 =	vpop (erf)  }
0x101: {  	(erf) = vpow2.f32 v58;
	v37 =	vadd.f32 $1.000000000e+00, v59  }
0x102: {  	(erf) = vrcp.f32 v33  }
0x103: {  	(erf) = vrcp.f32 v37  }
0x104: {  	v60 =	vsel vm0, v40, v36;
	v40 =	vpop (erf)  }
0x105: {  	v61 =	vsel vm0, v41, v45;
	v41 =	vpop (erf)  }
0x106: {  	(xrf1) =	vsort.dscd.msk.f32 $0xffff, v60, v61;
	v62 =	vpop (erf)  }
0x107: {  	v63 =	vpop (erf)  }
0x108: {  	v38 =	vnsel vm0, $0x0, v63  }
0x109: {  	v35 =	vsel vm0, v53, v42;
	v45 =	vsel vm0, v52, v43;
	v48 =	vperm.xlane v38, v4  }
0x10a: {  	(xrf1) =	vsort.dscd.msk.f32 $0xffff, v35, v45;
	v42 =	vpop (erf)  }
0x10b: {  	v43 =	vadd.f32 v38, v48;
	v47 =	vpop (erf)  }
0x10c: {  	v35 =	vnsel vm0, $0x0, v47;
	v49 =	vpop (erf)  }
0x10d: {  	v52 =	vperm.xlane v43, v5;
	v50 =	vperm.xlane v35, v4;
	v37 =	vnsel vm0, $0x0, v49  }
0x10e: {  	v51 =	vperm.xlane v37, v4  }
0x10f: {  	v43 =	vadd.f32 v43, v52;
	v33 =	vadd.f32 v35, v50  }
0x110: {  	v44 =	vadd.f32 v37, v51  }
0x111: {  	v56 =	vperm.xlane v43, v6;
	v53 =	vperm.xlane v33, v5  }
0x112: {  	v54 =	vperm.xlane v44, v5  }
0x113: {  	v49 =	vnsel vm0, $0x0, v62;
	v36 =	vadd.f32 v43, v56;
	v47 =	vadd.f32 v33, v53  }
0x114: {  	v58 =	vperm.xlane v49, v4;
	v55, v33, _ =	vpop (xrf1);
	v44 =	vadd.f32 v44, v54  }
0x115: {  	v57 =	vsub.f32 $0.0e+00, v55;
	v50 =	vperm.xlane v47, v6  }
0x116: {  	v48 =	vadd.f32 v49, v58;
	v59 =	vperm.xlane v44, v6  }
0x117: {  	v45 =	vmul.f32 $1.442695020e+00, v57;
	v47 =	vadd.f32 v47, v50  }
0x118: {  	v60 =	vadd.f32 $9.999999680e-21, v36;
	v63 =	vperm.xlane v48, v5;
	v51, v36, _ =	vpop (xrf1);
	v43 =	vadd.f32 v44, v59  }
0x119: {  	v61 =	vsub.f32 $0.0e+00, v51;
	(erf) = vpow2.f32 v45;
	v62 =	vadd.f32 $9.999999680e-21, v47  }
0x11a: {  	(erf) = vrcp.f32 v60;
	v43 =	vadd.f32 $9.999999680e-21, v43  }
0x11b: {  	v48 =	vadd.f32 v48, v63;
	v44 =	vmul.f32 $1.442695020e+00, v61;
	(erf) = vrcp.f32 v62  }
0x11c: {  	(erf) = vrcp.f32 v43  }
0x11d: {  	v50 =	vperm.xlane v48, v6;
	(erf) = vpow2.f32 v44;
	_ =	sdelay $0x1  }
0x11e: {  	v43 =	vadd.f32 v48, v50;
	_ =	sdelay $0x1  }
0x11f: {  	v43 =	vadd.f32 $9.999999680e-21, v43  }
0x120: {  	v51 =	vpop (erf)  }
0x121: {  	v45 =	vpop (erf)  }
0x122: {  	v44 =	vadd.f32 $1.000000000e+00, v51;
	v47 =	vpop (erf)  }
0x123: {  	v41 =	vadd.f32 $1.000000000e+00, v41;
	(erf) = vrcp.f32 v43;
	v43 =	vpop (erf)  }
0x124: {  	v42 =	vadd.f32 $1.000000000e+00, v42;
	(erf) = vrcp.f32 v44;
	v52 =	vpop (erf)  }
0x125: {  	(erf) = vrcp.f32 v41;
	v53 =	vadd.f32 $1.000000000e+00, v52  }
0x126: {  	(erf) = vrcp.f32 v42  }
0x127: {  	(erf) = vrcp.f32 v53;
	_ =	sdelay $0x2  }
0x128: {  	v58 =	vor.u32 s17, v0;
	_ =	sdelay $0x1  }
0x129: {  	v54 =	vor.u32 s18, v0;
	v42 =	vpop (erf)  }
0x12a: {  	v63 =	vmul.f32 v31, v15;
	v56 =	vpop (erf)  }
0x12b: {  	v18 =	vmul.f32 v28, v18;
	v16 =	vmul.f32 v25, v16;
	v55 =	vadd.s32 s19, v0;
	v57 =	vpop (erf)  }
0x12c: {  	v30 =	vmul.f32 v46, v30;
	[tilespmem:v58+s8+$0x0] =	vst.idx.msk $0xff, v63;
	v60 =	vmul.f32 v29, v19;
	v28 =	vnsel vm0, $0x0, v57;
	v59 =	vpop (erf)  }
0x12d: {  	[tilespmem:v58+s9+$0x0] =	vst.idx.msk $0xff, v8;
	v53 =	vadd.s32 s16, v0;
	v61 =	vperm.xlane v28, v4;
	v29 =	vnsel vm0, $0x0, v59;
	v62 =	vpop (erf)  }
0x12e: {  	v8 =	vor.u32 s15, v0;
	[tilespmem:v54+s8+$0x0] =	vst.idx.msk $0xff, v18;
	v51 =	vperm.xlane v29, v4;
	v15 =	vnsel vm0, $0x0, v62  }
0x12f: {  	[tilespmem:v54+s9+$0x0] =	vst.idx.msk $0xff, v9;
	v18 =	vnsel vm0, $0x0, v56;
	v19 =	vadd.f32 v28, v61;
	v52 =	vperm.xlane v15, v4  }
0x130: {  	[tilespmem:v55+s8+$0x0] =	vst.idx.msk $0xff, v60;
	v54 =	vperm.xlane v18, v4;
	v31 =	vadd.f32 v29, v51  }
0x131: {  	[tilespmem:v55+s9+$0x0] =	vst.idx.msk $0xff, v13;
	v55 =	vperm.xlane v19, v5;
	v41 =	vadd.f32 v15, v52  }
0x132: {  	[tilespmem:v53+s8+$0x0] =	vst.idx.msk $0xff, v16;
	v56 =	vadd.f32 v18, v54;
	v57 =	vperm.xlane v31, v5  }
0x133: {  	[tilespmem:v53+s9+$0x0] =	vst.idx.msk $0xff, v7;
	v7 =	vadd.s32 s12, v0;
	v19 =	vadd.f32 v19, v55;
	v58 =	vperm.xlane v41, v5  }
0x134: {  	[tilespmem:v8+s8+$0x0] =	vst.idx.msk $0xff, v30;
	v59 =	vperm.xlane v56, v5;
	v31 =	vadd.f32 v31, v57  }
0x135: {  	v60 =	vor.u32 s14, v0;
	[tilespmem:v8+s9+$0x0] =	vst.idx.msk $0xff, v10;
	v61 =	vperm.xlane v19, v6;
	v25 =	vadd.f32 v41, v58  }
0x136: {  	s11 =	sadd.s32 $0x20, s11;
	v8 =	vmul.f32 v39, v26;
	v9 =	vadd.f32 v56, v59;
	v62 =	vperm.xlane v31, v6  }
0x137: {  	s24 =	sadd.s32 $0xFFFFFFF8, s11;
	v32 =	vmul.f32 v40, v32;
	v19 =	vadd.f32 v19, v61;
	v63 =	vperm.xlane v25, v6  }
0x138: {  	[tilespmem:v7+s8+$0x0] =	vst.idx.msk $0xff, v8;
	v8 =	vor.u32 s24, v0;
	v44 =	vperm.xlane v9, v6;
	v13 =	vadd.f32 v31, v62  }
0x139: {  	s26 =	sadd.s32 $0xFFFFFFF0, s11;
	v46 =	vadd.f32 $9.999999680e-21, v19;
	v48 =	vadd.f32 v25, v63  }
0x13a: {  	[tilespmem:v60+s8+$0x0] =	vst.idx.msk $0xff, v32;
	v54 =	vadd.s32 s26, v0;
	v9 =	vadd.f32 v9, v44;
	v13 =	vadd.f32 $9.999999680e-21, v13  }
0x13b: {  	[tilespmem:v60+s9+$0x0] =	vst.idx.msk $0xff, v12;
	v53 =	vmul.f32 v45, v38;
	(erf) = vrcp.f32 v46;
	v50 =	vadd.f32 $9.999999680e-21, v48  }
0x13c: {  	s25 =	sadd.s32 $0xFFFFFFE8, s11;
	[tilespmem:v7+s9+$0x0] =	vst.idx.msk $0xff, v17;
	v41 =	vadd.s32 s13, v0;
	v7 =	vadd.f32 $9.999999680e-21, v9;
	(erf) = vrcp.f32 v13  }
0x13d: {  	v55 =	vmul.f32 v43, v37;
	v52 =	vor.u32 s25, v0;
	[tilespmem:v8+s8+$0x0] =	vst.idx.msk $0xff, v53;
	(erf) = vrcp.f32 v50  }
0x13e: {  	[tilespmem:v8+s9+$0x0] =	vst.idx.msk $0xff, v14;
	v8 =	vadd.s32 s11, v0;
	(erf) = vrcp.f32 v7  }
0x13f: {  	v51 =	vmul.f32 v34, v21;
	[tilespmem:v54+s8+$0x0] =	vst.idx.msk $0xff, v55  }
0x140: {  	s28 =	sadd.s32 $0x20, s11;
	[tilespmem:v54+s9+$0x0] =	vst.idx.msk $0xff, v27;
	v7 =	vmul.f32 v42, v49  }
0x141: {  	s29 =	sadd.s32 $0xFFFFFFF8, s28;
	v56 =	vmul.f32 v47, v35;
	[tilespmem:v41+s8+$0x0] =	vst.idx.msk $0xff, v51  }
0x142: {  	[tilespmem:v52+s8+$0x0] =	vst.idx.msk $0xff, v7;
	v7 =	vor.u32 s29, v0  }
0x143: {  	s31 =	sadd.s32 $0xFFFFFFF0, s28;
	[tilespmem:v8+s8+$0x0] =	vst.idx.msk $0xff, v56  }
0x144: {  	s30 =	sadd.s32 $0xFFFFFFE8, s28;
	v62 =	vadd.s32 s31, v0;
	[tilespmem:v41+s9+$0x0] =	vst.idx.msk $0xff, v11;
	v57 =	vpop (erf)  }
0x145: {  	v59 =	vor.u32 s30, v0;
	[tilespmem:v8+s9+$0x0] =	vst.idx.msk $0xff, v24;
	v58 =	vpop (erf);
	v60 =	vmul.f32 v57, v28  }
0x146: {  	[tilespmem:v52+s9+$0x0] =	vst.idx.msk $0xff, v22;
	v61 =	vpop (erf)  }
0x147: {  	[tilespmem:v7+s8+$0x0] =	vst.idx.msk $0xff, v60;
	v8 =	vpop (erf);
	v63 =	vmul.f32 v61, v15  }
0x148: {  	[tilespmem:v7+s9+$0x0] =	vst.idx.msk $0xff, v20;
	v7 =	vadd.s32 s28, v0;
	v8 =	vmul.f32 v8, v18  }
0x149: {  	[tilespmem:v62+s8+$0x0] =	vst.idx.msk $0xff, v63  }
0x14a: {  	[tilespmem:v59+s8+$0x0] =	vst.idx.msk $0xff, v8  }
0x14b: {  	v8 =	vmul.f32 v58, v29;
	[tilespmem:v62+s9+$0x0] =	vst.idx.msk $0xff, v36  }
0x14c: {  	[tilespmem:v59+s9+$0x0] =	vst.idx.msk $0xff, v33  }
0x14d: {  	[tilespmem:v7+s8+$0x0] =	vst.idx.msk $0xff, v8  }
0x14e: {  	[tilespmem:v7+s9+$0x0] =	vst.idx.msk $0xff, v23  }
0x14f: {  	[hbm4b:s4+s2] =	stream.linear.scatter [tilespmem:s8], [sflag:$0x1], $0x800, $0x38;
	[tilespmem:$0x5000] =	vst v63  }
0x150: {  	s10 =	sadd.s32 $0x1, s10;
	_ =	swait.ge [sflag:s7], $0x800  }
0x151: {  	p0 =	sne.s32 s10, s6;
	[sflag:s7] =	ssyncset.done $0x0  }
.Ltmp1:
0x152: {  	[sflag:s7] =	ssyncadd.s32 $0xFFFFF800;
	(pc) =	sbr.rel @p0 .LBB2_1-.Ltmp1, $4  }
0x153: {  	[hbm4b:s5+s2] =	stream.linear.scatter [tilespmem:s9], [sflag:$0x1], $0x800, $0x38;
	[tilespmem:$0x5000] =	vst v63  }
0x154: {  	_ =	swait.ge [sflag:s7], $0x800  }
0x155: {  	[sflag:s7] =	ssyncset.done $0x0  }
0x156: {  	[sflag:s7] =	ssyncadd.s32 $0xFFFFF800  }
0x157: {  	_ =	sfence.sel $0x180000  }
0x158: {  	[bflag:$0x0] =	sbarrier.arrive $0xFFFF  }
0x159: {  	p0 =	sne.s32 s1, $0x0;
	_ =	strace $0x9000004A  }
0x15a: {  	s0 =	sadd.s32 @!p0 $0x100000, s0;
	[bflag:$0x2] =	sbarrier.arrive $0xFFFF  }
0x15b: {  	[sflag:s0] =	ssyncadd.tile.s32 @!p0 $0x1;
	_ =	shalt  }
.Lfunc_end2:
_tile_overlayer_lowered:
.L_overlay_start_2:
0x15c: {  	(tag) =	ssettag $0x2  }
0x15d: {  	s0 =	rddreg [dreg:$0x0];
	s2 =	stileid.u32  }
0x15e: {  	s1 =	rddreg [dreg:$0x1];
	p0 =	sne.s32 s2, $0x0  }
0x15f: {  	s3 =	rddreg [dreg:$0x2];
	[bflag:$0x3] =	sbarrier.arrive $0xFFFF;
	s2 =	simm.s32 @!p0 $0x1C01  }
0x160: {  	[timem:s3], [sflag:s2] =	dma.local @!p0 [hbm:s0], s1  }
0x161: {  	s0 =	simm.s32 @!p0 $0x1  }
0x162: {  	_ =	swait.ge @!p0 [sflag:s0], s1  }
0x163: {  	s1 =	ssub.s32 @!p0 $0x0, s1;
	[sflag:s0] =	ssyncset.done @!p0 $0x0  }
0x164: {  	[sflag:s0] =	ssyncadd.s32 @!p0 s1  }
0x165: {  	[bflag:$0x3] =	sbarrier.arrive $0xFFFF  }
0x166: {  	_ =	shalt  }

</sc_bundles>
